<compile_context>
chip_gen: v7x
topology: tpu7x:2x2x1
jax: 0.10.2.dev20260603
libtpu: 0.0.44.dev20260713+nightly
codegen_flags: <defaults>
</compile_context>

<pallas_src>
import functools

import jax
import jax.numpy as jnp
from jax import lax
from jax.experimental import pallas as pl
from jax.experimental.pallas import tpu as pltpu
from jax.experimental.pallas import tpu_sc as plsc

NC = 2
NS = 16
NW = NC * NS
CH = 128
BV = 32768
SUB_SHIFT = (BV // 4).bit_length() - 1
PAR_SHIFT = (BV // 2).bit_length() - 1


def _reformat_body(xt_ref, out_ref):
    x = xt_ref[...]
    z = jnp.concatenate([x[:, :BV // 2], x[:, BV // 2:]], axis=0)
    zt = z.T
    zi = lax.bitcast_convert_type(zt, jnp.int32)
    zb = lax.shift_right_logical(
        zi + 0x7FFF + (lax.shift_right_logical(zi, 16) & 1), 16)
    out_ref[...] = zb[:BV // 4] | (zb[BV // 4:] << 16)


def _tc_reformat(table_t):
    emb, vocab = table_t.shape
    grid = pl.cdiv(vocab, BV)
    return pl.pallas_call(
        _reformat_body,
        grid=(grid,),
        in_specs=[pl.BlockSpec((emb, BV), lambda i: (0, i))],
        out_specs=pl.BlockSpec((BV // 4, 2 * emb), lambda i: (i, 0)),
        out_shape=jax.ShapeDtypeStruct((grid * BV // 4, 2 * emb), jnp.int32),
    )(table_t)


def _gather_body(idx_hbm, table_hbm, out_hbm, idx_v,
                 buf0, buf1, buf2, buf3, sem0, sem1, sem2, sem3,
                 osem0, osem1, osem2, osem3, *, n_chunk):
    wid = lax.axis_index("s") * NC + lax.axis_index("c")
    rows_w = n_chunk * CH
    base = wid * rows_w
    pltpu.sync_copy(idx_hbm.at[pl.ds(base, rows_w)], idx_v)

    bufs = (buf0, buf1, buf2, buf3)
    sems = (sem0, sem1, sem2, sem3)
    osems = (osem0, osem1, osem2, osem3)

    def start_in(j):
        return pltpu.async_copy(
            table_hbm.at[idx_v.at[pl.ds(j * CH, CH)]], bufs[j % 4], sems[j % 4])

    def start_out(j):
        return pltpu.async_copy(
            bufs[j % 4], out_hbm.at[pl.ds(base + j * CH, CH)], osems[j % 4])

    descs_in = [None] * n_chunk
    descs_out = [None] * n_chunk
    for j in range(min(2, n_chunk)):
        descs_in[j] = start_in(j)
    for j in range(n_chunk):
        if j + 2 < n_chunk:
            if j >= 2:
                descs_out[j - 2].wait()
            descs_in[j + 2] = start_in(j + 2)
        descs_in[j].wait()
        descs_out[j] = start_out(j)
    for j in range(max(0, n_chunk - 2), n_chunk):
        descs_out[j].wait()


def _sc_gather(idx, table2, n_rows):
    n_chunk = n_rows // (NW * CH)
    mesh = plsc.VectorSubcoreMesh(core_axis_name="c", subcore_axis_name="s")
    body = functools.partial(_gather_body, n_chunk=n_chunk)
    return pl.kernel(
        body,
        out_type=jax.ShapeDtypeStruct((n_rows, 128), jnp.int32),
        mesh=mesh,
        scratch_types=[
            pltpu.VMEM((n_rows // NW,), jnp.int32),
            pltpu.VMEM((CH, 128), jnp.int32),
            pltpu.VMEM((CH, 128), jnp.int32),
            pltpu.VMEM((CH, 128), jnp.int32),
            pltpu.VMEM((CH, 128), jnp.int32),
            pltpu.SemaphoreType.DMA,
            pltpu.SemaphoreType.DMA,
            pltpu.SemaphoreType.DMA,
            pltpu.SemaphoreType.DMA,
            pltpu.SemaphoreType.DMA,
            pltpu.SemaphoreType.DMA,
            pltpu.SemaphoreType.DMA,
            pltpu.SemaphoreType.DMA,
        ],
    )(idx, table2)


def _mlp_body(x3_ref, toks_ref, w13_ref, b1_ref, w2_ref, b2_ref,
              out_ref, *, seq, hidden):
    blk = out_ref.shape[0]
    acc = jnp.zeros((blk, hidden), jnp.float32) + b1_ref[...]
    for p in range(seq):
        xp = x3_ref[p]
        tok = toks_ref[:, p].reshape(blk, 1)
        subp = lax.shift_right_logical(tok, SUB_SHIFT) & 1
        bits = lax.shift_left(xp, (1 - subp) * 16) & jnp.int32(-65536)
        xf = lax.bitcast_convert_type(bits, jnp.float32)
        parp = lax.shift_right_logical(tok, PAR_SHIFT) & 1
        sel = jnp.where(parp > 0, xf[:, 64:], xf[:, :64])
        acc += jnp.dot(sel.astype(jnp.bfloat16), w13_ref[p],
                       preferred_element_type=jnp.float32)
    h = jnp.maximum(acc, 0.0)
    logits = jnp.dot(h, w2_ref[...],
                     preferred_element_type=jnp.float32) + b2_ref[...]
    m = jnp.max(logits, axis=1, keepdims=True)
    e = logits - m
    lse = jnp.log(jnp.sum(jnp.exp(e), axis=1, keepdims=True))
    out_ref[...] = e - lse


def _tc_mlp(x3, toks, w1, b1, w2, b2, num_tags):
    seq, bs, _ = x3.shape
    in_dim, hidden = w1.shape
    emb = in_dim // seq
    blk = 2048
    grid = bs // blk
    body = functools.partial(_mlp_body, seq=seq, hidden=hidden)
    return pl.pallas_call(
        body,
        grid=(grid,),
        in_specs=[
            pl.BlockSpec((seq, blk, 128), lambda i: (0, i, 0)),
            pl.BlockSpec((blk, seq), lambda i: (i, 0)),
            pl.BlockSpec((seq, emb, hidden), lambda i: (0, 0, 0)),
            pl.BlockSpec((1, hidden), lambda i: (0, 0)),
            pl.BlockSpec((hidden, num_tags), lambda i: (0, 0)),
            pl.BlockSpec((1, num_tags), lambda i: (0, 0)),
        ],
        out_specs=pl.BlockSpec((blk, num_tags), lambda i: (i, 0)),
        out_shape=jax.ShapeDtypeStruct((bs, num_tags), jnp.float32),
    )(x3, toks, w1.reshape(seq, emb, hidden).astype(jnp.bfloat16),
      b1.reshape(1, hidden), w2, b2.reshape(1, num_tags))


def kernel(Xtoks_IDs, emb_table, W1, b1, W2, b2):
    bs, seq = Xtoks_IDs.shape
    vocab, emb = emb_table.shape
    num_tags = W2.shape[1]

    toks_t = Xtoks_IDs.astype(jnp.int32).T
    blk_i = toks_t // BV
    l2 = (toks_t % BV) % (BV // 2)
    word_idx = (blk_i * (BV // 4) + l2 % (BV // 4)).reshape(-1)

    table2 = _tc_reformat(emb_table.T)

    toks32 = Xtoks_IDs.astype(jnp.int32)
    word2 = word_idx.reshape(seq, bs)
    hb = bs // 2
    outs = []
    for k in range(2):
        wk = word2[:, k * hb:(k + 1) * hb].reshape(-1)
        rows = _sc_gather(wk, table2, seq * hb)
        x3 = rows.reshape(seq, hb, 2 * emb)
        outs.append(_tc_mlp(x3, toks32[k * hb:(k + 1) * hb], W1, b1, W2, b2,
                            num_tags))
    return jnp.concatenate(outs, axis=0)

# --- scband reference (transcript-rebuilt; emitter-appended) ---
"""Pipeline reference for scband-mlpclassifier-48069273977498 (READ-ONLY COPY).

The authoritative reference and input builder live on the scoring server;
editing this copy changes nothing except your own understanding.
"""

import jax, jax.numpy as jnp
import numpy as np

VOCAB = 1000000
NUM_TAGS = 32
EMB = 64
HIDDEN = 64
WINDOW = 2
SEQ = 1 + 2 * WINDOW
BATCH = 16384


def setup_inputs(seed: int = 0) -> dict:
    key = jax.random.key(seed)
    k_idx, k_emb, k_w1, k_b1, k_w2, k_b2 = jax.random.split(key, 6)
    Xtoks_IDs = jax.random.randint(k_idx, (BATCH, SEQ), 0, VOCAB, dtype=jnp.int64 if jax.config.jax_enable_x64 else jnp.int32)
    emb_table = jax.random.normal(k_emb, (VOCAB, EMB), dtype=jnp.float32) * 0.02
    in_dim = EMB * SEQ
    W1 = jax.random.normal(k_w1, (in_dim, HIDDEN), dtype=jnp.float32) * (1.0 / np.sqrt(in_dim))
    b1 = jnp.zeros((HIDDEN,), dtype=jnp.float32)
    W2 = jax.random.normal(k_w2, (HIDDEN, NUM_TAGS), dtype=jnp.float32) * (1.0 / np.sqrt(HIDDEN))
    b2 = jnp.zeros((NUM_TAGS,), dtype=jnp.float32)
    return {"Xtoks_IDs": Xtoks_IDs, "emb_table": emb_table, "W1": W1, "b1": b1, "W2": W2, "b2": b2}


def reference(Xtoks_IDs, emb_table, W1, b1, W2, b2):
    bs, seq = Xtoks_IDs.shape
    # word embedding lookup (gather)
    emb = jnp.take(emb_table, Xtoks_IDs, axis=0)            # [bs, seq, EMB]
    flat = emb.reshape(bs, -1)                              # [bs, seq*EMB]
    # MLP_baseline: Linear -> ReLU (dropout=0.0 is identity)
    h = jax.nn.relu(flat @ W1 + b1)                         # [bs, HIDDEN]
    # FFW projection to tag space
    logits = h @ W2 + b2                                    # [bs, NUM_TAGS]
    # LogSoftmax over dim=1
    out = jax.nn.log_softmax(logits, axis=1)
    return out

if __name__ == "__main__":
    import jax
    _d = setup_inputs()
    print(jax.jit(kernel)(*tuple(_d.values())))

</pallas_src>

<mosaic_0001>
#map = affine_map<(d0, d1) -> (0)>
#map1 = affine_map<(d0, d1) -> (0, 0)>
module attributes {stable_mosaic.version = 14 : i64} {
  func.func @_gather_body(%arg0: i32, %arg1: i32, %arg2: memref<40960xi32, #tpu.memory_space<hbm>>, %arg3: memref<253952x128xi32, #tpu.memory_space<hbm>>, %arg4: memref<40960x128xi32, #tpu.memory_space<hbm>>, %arg5: memref<1280xi32, #tpu.memory_space<vmem>>, %arg6: memref<128x128xi32, #tpu.memory_space<vmem>>, %arg7: memref<128x128xi32, #tpu.memory_space<vmem>>, %arg8: memref<128x128xi32, #tpu.memory_space<vmem>>, %arg9: memref<128x128xi32, #tpu.memory_space<vmem>>, %arg10: memref<!tpu.dma_semaphore, #tpu.memory_space<semaphore_mem>>, %arg11: memref<!tpu.dma_semaphore, #tpu.memory_space<semaphore_mem>>, %arg12: memref<!tpu.dma_semaphore, #tpu.memory_space<semaphore_mem>>, %arg13: memref<!tpu.dma_semaphore, #tpu.memory_space<semaphore_mem>>, %arg14: memref<!tpu.dma_semaphore, #tpu.memory_space<semaphore_mem>>, %arg15: memref<!tpu.dma_semaphore, #tpu.memory_space<semaphore_mem>>, %arg16: memref<!tpu.dma_semaphore, #tpu.memory_space<semaphore_mem>>, %arg17: memref<!tpu.dma_semaphore, #tpu.memory_space<semaphore_mem>>) attributes {dimension_semantics = [#tpu.dimension_semantics<core_parallel>, #tpu.dimension_semantics<subcore_parallel>], iteration_bounds = array<i64: 2, 16>, scalar_prefetch = 0 : i64, scratch_operands = 13 : i64, tpu.core_type = #tpu.core_type<sc_vector_subcore>, window_params = [{transform_indices = #map}, {transform_indices = #map1}, {transform_indices = #map1}]} {
    %mul3A = arith.constant 2 : i32
    %mul3A_0 = arith.muli %arg1, %mul3A : i32
    %add3A = arith.addi %mul3A_0, %arg0 : i32
    %mul3A_1 = arith.constant 1280 : i32
    %mul3A_2 = arith.muli %add3A, %mul3A_1 : i32
    "tpu.region"() ({
      %run_scoped3A = tpu.sem_alloc : memref<!tpu.dma_semaphore, #tpu.memory_space<semaphore_mem>>
      %dma_start3A_193 = tpu.memref_slice %arg2[%mul3A_2] : memref<40960xi32, #tpu.memory_space<hbm>> -> memref<1280xi32, #tpu.memory_space<hbm>>
      %dma_start3A_194 = tpu.memref_slice %arg2[%mul3A_2] : memref<40960xi32, #tpu.memory_space<hbm>> -> memref<1280xi32, #tpu.memory_space<hbm>>
      tpu.enqueue_dma source(%dma_start3A_194 : memref<1280xi32, #tpu.memory_space<hbm>>) target(%arg5 : memref<1280xi32, #tpu.memory_space<vmem>>) target_semaphore(%run_scoped3A : memref<!tpu.dma_semaphore, #tpu.memory_space<semaphore_mem>>)
      %dma_wait3A_195 = tpu.memref_slice %arg2[%mul3A_2] : memref<40960xi32, #tpu.memory_space<hbm>> -> memref<1280xi32, #tpu.memory_space<hbm>>
      %dma_wait3A_196 = tpu.memref_slice %arg2[%mul3A_2] : memref<40960xi32, #tpu.memory_space<hbm>> -> memref<1280xi32, #tpu.memory_space<hbm>>
      tpu.wait_dma2 semaphore(%run_scoped3A : memref<!tpu.dma_semaphore, #tpu.memory_space<semaphore_mem>>) src(%dma_wait3A_196 : memref<1280xi32, #tpu.memory_space<hbm>>) dst(%arg5 : memref<1280xi32, #tpu.memory_space<vmem>>)
      tpu.yield
    }) : () -> ()
    %dma_start3A = arith.constant 0 : i32
    %dma_start3A_3 = tpu.memref_slice %arg5[%dma_start3A] : memref<1280xi32, #tpu.memory_space<vmem>> -> memref<128xi32, #tpu.memory_space<vmem>>
    %dma_start3A_4 = arith.constant 0 : i32
    %dma_start3A_5 = arith.constant 0 : i32
    %dma_start3A_6 = tpu.memref_slice %arg3[%dma_start3A_4, %dma_start3A_5] : memref<253952x128xi32, #tpu.memory_space<hbm>> -> memref<253952x128xi32, #tpu.memory_space<hbm>>
    tpu.enqueue_indirect_dma source(%dma_start3A_6 : memref<253952x128xi32, #tpu.memory_space<hbm>>) target(%arg6 : memref<128x128xi32, #tpu.memory_space<vmem>>) offsets(%dma_start3A_3 : memref<128xi32, #tpu.memory_space<vmem>>) semaphore(%arg10 : memref<!tpu.dma_semaphore, #tpu.memory_space<semaphore_mem>>)
    %dma_start3A_7 = arith.constant 128 : i32
    %dma_start3A_8 = tpu.memref_slice %arg5[%dma_start3A_7] : memref<1280xi32, #tpu.memory_space<vmem>> -> memref<128xi32, #tpu.memory_space<vmem>>
    %dma_start3A_9 = arith.constant 0 : i32
    %dma_start3A_10 = arith.constant 0 : i32
    %dma_start3A_11 = tpu.memref_slice %arg3[%dma_start3A_9, %dma_start3A_10] : memref<253952x128xi32, #tpu.memory_space<hbm>> -> memref<253952x128xi32, #tpu.memory_space<hbm>>
    tpu.enqueue_indirect_dma source(%dma_start3A_11 : memref<253952x128xi32, #tpu.memory_space<hbm>>) target(%arg7 : memref<128x128xi32, #tpu.memory_space<vmem>>) offsets(%dma_start3A_8 : memref<128xi32, #tpu.memory_space<vmem>>) semaphore(%arg11 : memref<!tpu.dma_semaphore, #tpu.memory_space<semaphore_mem>>)
    %dma_start3A_12 = arith.constant 256 : i32
    %dma_start3A_13 = tpu.memref_slice %arg5[%dma_start3A_12] : memref<1280xi32, #tpu.memory_space<vmem>> -> memref<128xi32, #tpu.memory_space<vmem>>
    %dma_start3A_14 = arith.constant 0 : i32
    %dma_start3A_15 = arith.constant 0 : i32
    %dma_start3A_16 = tpu.memref_slice %arg3[%dma_start3A_14, %dma_start3A_15] : memref<253952x128xi32, #tpu.memory_space<hbm>> -> memref<253952x128xi32, #tpu.memory_space<hbm>>
    tpu.enqueue_indirect_dma source(%dma_start3A_16 : memref<253952x128xi32, #tpu.memory_space<hbm>>) target(%arg8 : memref<128x128xi32, #tpu.memory_space<vmem>>) offsets(%dma_start3A_13 : memref<128xi32, #tpu.memory_space<vmem>>) semaphore(%arg12 : memref<!tpu.dma_semaphore, #tpu.memory_space<semaphore_mem>>)
    %dma_wait3A = arith.constant 0 : i32
    %dma_wait3A_17 = tpu.memref_slice %arg5[%dma_wait3A] : memref<1280xi32, #tpu.memory_space<vmem>> -> memref<128xi32, #tpu.memory_space<vmem>>
    %dma_wait3A_18 = arith.constant 0 : i32
    %dma_wait3A_19 = arith.constant 0 : i32
    %dma_wait3A_20 = tpu.memref_slice %arg3[%dma_wait3A_18, %dma_wait3A_19] : memref<253952x128xi32, #tpu.memory_space<hbm>> -> memref<253952x128xi32, #tpu.memory_space<hbm>>
    tpu.wait_indirect_dma semaphore(%arg10 : memref<!tpu.dma_semaphore, #tpu.memory_space<semaphore_mem>>) src(%dma_wait3A_20 : memref<253952x128xi32, #tpu.memory_space<hbm>>) dst(%arg6 : memref<128x128xi32, #tpu.memory_space<vmem>>)
    %add3A_21 = arith.constant 0 : i32
    %add3A_22 = arith.addi %mul3A_2, %add3A_21 : i32
    %dma_start3A_23 = arith.constant 0 : i32
    %dma_start3A_24 = tpu.memref_slice %arg4[%add3A_22, %dma_start3A_23] : memref<40960x128xi32, #tpu.memory_space<hbm>> -> memref<128x128xi32, #tpu.memory_space<hbm>>
    %dma_start3A_25 = arith.constant 0 : i32
    %dma_start3A_26 = tpu.memref_slice %arg4[%add3A_22, %dma_start3A_25] : memref<40960x128xi32, #tpu.memory_space<hbm>> -> memref<128x128xi32, #tpu.memory_space<hbm>>
    tpu.enqueue_dma source(%arg6 : memref<128x128xi32, #tpu.memory_space<vmem>>) target(%dma_start3A_26 : memref<128x128xi32, #tpu.memory_space<hbm>>) target_semaphore(%arg14 : memref<!tpu.dma_semaphore, #tpu.memory_space<semaphore_mem>>)
    %dma_start3A_27 = arith.constant 384 : i32
    %dma_start3A_28 = tpu.memref_slice %arg5[%dma_start3A_27] : memref<1280xi32, #tpu.memory_space<vmem>> -> memref<128xi32, #tpu.memory_space<vmem>>
    %dma_start3A_29 = arith.constant 0 : i32
    %dma_start3A_30 = arith.constant 0 : i32
    %dma_start3A_31 = tpu.memref_slice %arg3[%dma_start3A_29, %dma_start3A_30] : memref<253952x128xi32, #tpu.memory_space<hbm>> -> memref<253952x128xi32, #tpu.memory_space<hbm>>
    tpu.enqueue_indirect_dma source(%dma_start3A_31 : memref<253952x128xi32, #tpu.memory_space<hbm>>) target(%arg9 : memref<128x128xi32, #tpu.memory_space<vmem>>) offsets(%dma_start3A_28 : memref<128xi32, #tpu.memory_space<vmem>>) semaphore(%arg13 : memref<!tpu.dma_semaphore, #tpu.memory_space<semaphore_mem>>)
    %dma_wait3A_32 = arith.constant 128 : i32
    %dma_wait3A_33 = tpu.memref_slice %arg5[%dma_wait3A_32] : memref<1280xi32, #tpu.memory_space<vmem>> -> memref<128xi32, #tpu.memory_space<vmem>>
    %dma_wait3A_34 = arith.constant 0 : i32
    %dma_wait3A_35 = arith.constant 0 : i32
    %dma_wait3A_36 = tpu.memref_slice %arg3[%dma_wait3A_34, %dma_wait3A_35] : memref<253952x128xi32, #tpu.memory_space<hbm>> -> memref<253952x128xi32, #tpu.memory_space<hbm>>
    tpu.wait_indirect_dma semaphore(%arg11 : memref<!tpu.dma_semaphore, #tpu.memory_space<semaphore_mem>>) src(%dma_wait3A_36 : memref<253952x128xi32, #tpu.memory_space<hbm>>) dst(%arg7 : memref<128x128xi32, #tpu.memory_space<vmem>>)
    %add3A_37 = arith.constant 128 : i32
    %add3A_38 = arith.addi %mul3A_2, %add3A_37 : i32
    %dma_start3A_39 = arith.constant 0 : i32
    %dma_start3A_40 = tpu.memref_slice %arg4[%add3A_38, %dma_start3A_39] : memref<40960x128xi32, #tpu.memory_space<hbm>> -> memref<128x128xi32, #tpu.memory_space<hbm>>
    %dma_start3A_41 = arith.constant 0 : i32
    %dma_start3A_42 = tpu.memref_slice %arg4[%add3A_38, %dma_start3A_41] : memref<40960x128xi32, #tpu.memory_space<hbm>> -> memref<128x128xi32, #tpu.memory_space<hbm>>
    tpu.enqueue_dma source(%arg7 : memref<128x128xi32, #tpu.memory_space<vmem>>) target(%dma_start3A_42 : memref<128x128xi32, #tpu.memory_space<hbm>>) target_semaphore(%arg15 : memref<!tpu.dma_semaphore, #tpu.memory_space<semaphore_mem>>)
    %dma_wait3A_43 = arith.constant 0 : i32
    %dma_wait3A_44 = tpu.memref_slice %arg4[%add3A_22, %dma_wait3A_43] : memref<40960x128xi32, #tpu.memory_space<hbm>> -> memref<128x128xi32, #tpu.memory_space<hbm>>
    %dma_wait3A_45 = arith.constant 0 : i32
    %dma_wait3A_46 = tpu.memref_slice %arg4[%add3A_22, %dma_wait3A_45] : memref<40960x128xi32, #tpu.memory_space<hbm>> -> memref<128x128xi32, #tpu.memory_space<hbm>>
    tpu.wait_dma2 semaphore(%arg14 : memref<!tpu.dma_semaphore, #tpu.memory_space<semaphore_mem>>) src(%arg6 : memref<128x128xi32, #tpu.memory_space<vmem>>) dst(%dma_wait3A_46 : memref<128x128xi32, #tpu.memory_space<hbm>>)
    %dma_start3A_47 = arith.constant 512 : i32
    %dma_start3A_48 = tpu.memref_slice %arg5[%dma_start3A_47] : memref<1280xi32, #tpu.memory_space<vmem>> -> memref<128xi32, #tpu.memory_space<vmem>>
    %dma_start3A_49 = arith.constant 0 : i32
    %dma_start3A_50 = arith.constant 0 : i32
    %dma_start3A_51 = tpu.memref_slice %arg3[%dma_start3A_49, %dma_start3A_50] : memref<253952x128xi32, #tpu.memory_space<hbm>> -> memref<253952x128xi32, #tpu.memory_space<hbm>>
    tpu.enqueue_indirect_dma source(%dma_start3A_51 : memref<253952x128xi32, #tpu.memory_space<hbm>>) target(%arg6 : memref<128x128xi32, #tpu.memory_space<vmem>>) offsets(%dma_start3A_48 : memref<128xi32, #tpu.memory_space<vmem>>) semaphore(%arg10 : memref<!tpu.dma_semaphore, #tpu.memory_space<semaphore_mem>>)
    %dma_wait3A_52 = arith.constant 256 : i32
    %dma_wait3A_53 = tpu.memref_slice %arg5[%dma_wait3A_52] : memref<1280xi32, #tpu.memory_space<vmem>> -> memref<128xi32, #tpu.memory_space<vmem>>
    %dma_wait3A_54 = arith.constant 0 : i32
    %dma_wait3A_55 = arith.constant 0 : i32
    %dma_wait3A_56 = tpu.memref_slice %arg3[%dma_wait3A_54, %dma_wait3A_55] : memref<253952x128xi32, #tpu.memory_space<hbm>> -> memref<253952x128xi32, #tpu.memory_space<hbm>>
    tpu.wait_indirect_dma semaphore(%arg12 : memref<!tpu.dma_semaphore, #tpu.memory_space<semaphore_mem>>) src(%dma_wait3A_56 : memref<253952x128xi32, #tpu.memory_space<hbm>>) dst(%arg8 : memref<128x128xi32, #tpu.memory_space<vmem>>)
    %add3A_57 = arith.constant 256 : i32
    %add3A_58 = arith.addi %mul3A_2, %add3A_57 : i32
    %dma_start3A_59 = arith.constant 0 : i32
    %dma_start3A_60 = tpu.memref_slice %arg4[%add3A_58, %dma_start3A_59] : memref<40960x128xi32, #tpu.memory_space<hbm>> -> memref<128x128xi32, #tpu.memory_space<hbm>>
    %dma_start3A_61 = arith.constant 0 : i32
    %dma_start3A_62 = tpu.memref_slice %arg4[%add3A_58, %dma_start3A_61] : memref<40960x128xi32, #tpu.memory_space<hbm>> -> memref<128x128xi32, #tpu.memory_space<hbm>>
    tpu.enqueue_dma source(%arg8 : memref<128x128xi32, #tpu.memory_space<vmem>>) target(%dma_start3A_62 : memref<128x128xi32, #tpu.memory_space<hbm>>) target_semaphore(%arg16 : memref<!tpu.dma_semaphore, #tpu.memory_space<semaphore_mem>>)
    %dma_wait3A_63 = arith.constant 0 : i32
    %dma_wait3A_64 = tpu.memref_slice %arg4[%add3A_38, %dma_wait3A_63] : memref<40960x128xi32, #tpu.memory_space<hbm>> -> memref<128x128xi32, #tpu.memory_space<hbm>>
    %dma_wait3A_65 = arith.constant 0 : i32
    %dma_wait3A_66 = tpu.memref_slice %arg4[%add3A_38, %dma_wait3A_65] : memref<40960x128xi32, #tpu.memory_space<hbm>> -> memref<128x128xi32, #tpu.memory_space<hbm>>
    tpu.wait_dma2 semaphore(%arg15 : memref<!tpu.dma_semaphore, #tpu.memory_space<semaphore_mem>>) src(%arg7 : memref<128x128xi32, #tpu.memory_space<vmem>>) dst(%dma_wait3A_66 : memref<128x128xi32, #tpu.memory_space<hbm>>)
    %dma_start3A_67 = arith.constant 640 : i32
    %dma_start3A_68 = tpu.memref_slice %arg5[%dma_start3A_67] : memref<1280xi32, #tpu.memory_space<vmem>> -> memref<128xi32, #tpu.memory_space<vmem>>
    %dma_start3A_69 = arith.constant 0 : i32
    %dma_start3A_70 = arith.constant 0 : i32
    %dma_start3A_71 = tpu.memref_slice %arg3[%dma_start3A_69, %dma_start3A_70] : memref<253952x128xi32, #tpu.memory_space<hbm>> -> memref<253952x128xi32, #tpu.memory_space<hbm>>
    tpu.enqueue_indirect_dma source(%dma_start3A_71 : memref<253952x128xi32, #tpu.memory_space<hbm>>) target(%arg7 : memref<128x128xi32, #tpu.memory_space<vmem>>) offsets(%dma_start3A_68 : memref<128xi32, #tpu.memory_space<vmem>>) semaphore(%arg11 : memref<!tpu.dma_semaphore, #tpu.memory_space<semaphore_mem>>)
    %dma_wait3A_72 = arith.constant 384 : i32
    %dma_wait3A_73 = tpu.memref_slice %arg5[%dma_wait3A_72] : memref<1280xi32, #tpu.memory_space<vmem>> -> memref<128xi32, #tpu.memory_space<vmem>>
    %dma_wait3A_74 = arith.constant 0 : i32
    %dma_wait3A_75 = arith.constant 0 : i32
    %dma_wait3A_76 = tpu.memref_slice %arg3[%dma_wait3A_74, %dma_wait3A_75] : memref<253952x128xi32, #tpu.memory_space<hbm>> -> memref<253952x128xi32, #tpu.memory_space<hbm>>
    tpu.wait_indirect_dma semaphore(%arg13 : memref<!tpu.dma_semaphore, #tpu.memory_space<semaphore_mem>>) src(%dma_wait3A_76 : memref<253952x128xi32, #tpu.memory_space<hbm>>) dst(%arg9 : memref<128x128xi32, #tpu.memory_space<vmem>>)
    %add3A_77 = arith.constant 384 : i32
    %add3A_78 = arith.addi %mul3A_2, %add3A_77 : i32
    %dma_start3A_79 = arith.constant 0 : i32
    %dma_start3A_80 = tpu.memref_slice %arg4[%add3A_78, %dma_start3A_79] : memref<40960x128xi32, #tpu.memory_space<hbm>> -> memref<128x128xi32, #tpu.memory_space<hbm>>
    %dma_start3A_81 = arith.constant 0 : i32
    %dma_start3A_82 = tpu.memref_slice %arg4[%add3A_78, %dma_start3A_81] : memref<40960x128xi32, #tpu.memory_space<hbm>> -> memref<128x128xi32, #tpu.memory_space<hbm>>
    tpu.enqueue_dma source(%arg9 : memref<128x128xi32, #tpu.memory_space<vmem>>) target(%dma_start3A_82 : memref<128x128xi32, #tpu.memory_space<hbm>>) target_semaphore(%arg17 : memref<!tpu.dma_semaphore, #tpu.memory_space<semaphore_mem>>)
    %dma_wait3A_83 = arith.constant 0 : i32
    %dma_wait3A_84 = tpu.memref_slice %arg4[%add3A_58, %dma_wait3A_83] : memref<40960x128xi32, #tpu.memory_space<hbm>> -> memref<128x128xi32, #tpu.memory_space<hbm>>
    %dma_wait3A_85 = arith.constant 0 : i32
    %dma_wait3A_86 = tpu.memref_slice %arg4[%add3A_58, %dma_wait3A_85] : memref<40960x128xi32, #tpu.memory_space<hbm>> -> memref<128x128xi32, #tpu.memory_space<hbm>>
    tpu.wait_dma2 semaphore(%arg16 : memref<!tpu.dma_semaphore, #tpu.memory_space<semaphore_mem>>) src(%arg8 : memref<128x128xi32, #tpu.memory_space<vmem>>) dst(%dma_wait3A_86 : memref<128x128xi32, #tpu.memory_space<hbm>>)
    %dma_start3A_87 = arith.constant 768 : i32
    %dma_start3A_88 = tpu.memref_slice %arg5[%dma_start3A_87] : memref<1280xi32, #tpu.memory_space<vmem>> -> memref<128xi32, #tpu.memory_space<vmem>>
    %dma_start3A_89 = arith.constant 0 : i32
    %dma_start3A_90 = arith.constant 0 : i32
    %dma_start3A_91 = tpu.memref_slice %arg3[%dma_start3A_89, %dma_start3A_90] : memref<253952x128xi32, #tpu.memory_space<hbm>> -> memref<253952x128xi32, #tpu.memory_space<hbm>>
    tpu.enqueue_indirect_dma source(%dma_start3A_91 : memref<253952x128xi32, #tpu.memory_space<hbm>>) target(%arg8 : memref<128x128xi32, #tpu.memory_space<vmem>>) offsets(%dma_start3A_88 : memref<128xi32, #tpu.memory_space<vmem>>) semaphore(%arg12 : memref<!tpu.dma_semaphore, #tpu.memory_space<semaphore_mem>>)
    %dma_wait3A_92 = arith.constant 512 : i32
    %dma_wait3A_93 = tpu.memref_slice %arg5[%dma_wait3A_92] : memref<1280xi32, #tpu.memory_space<vmem>> -> memref<128xi32, #tpu.memory_space<vmem>>
    %dma_wait3A_94 = arith.constant 0 : i32
    %dma_wait3A_95 = arith.constant 0 : i32
    %dma_wait3A_96 = tpu.memref_slice %arg3[%dma_wait3A_94, %dma_wait3A_95] : memref<253952x128xi32, #tpu.memory_space<hbm>> -> memref<253952x128xi32, #tpu.memory_space<hbm>>
    tpu.wait_indirect_dma semaphore(%arg10 : memref<!tpu.dma_semaphore, #tpu.memory_space<semaphore_mem>>) src(%dma_wait3A_96 : memref<253952x128xi32, #tpu.memory_space<hbm>>) dst(%arg6 : memref<128x128xi32, #tpu.memory_space<vmem>>)
    %add3A_97 = arith.constant 512 : i32
    %add3A_98 = arith.addi %mul3A_2, %add3A_97 : i32
    %dma_start3A_99 = arith.constant 0 : i32
    %dma_start3A_100 = tpu.memref_slice %arg4[%add3A_98, %dma_start3A_99] : memref<40960x128xi32, #tpu.memory_space<hbm>> -> memref<128x128xi32, #tpu.memory_space<hbm>>
    %dma_start3A_101 = arith.constant 0 : i32
    %dma_start3A_102 = tpu.memref_slice %arg4[%add3A_98, %dma_start3A_101] : memref<40960x128xi32, #tpu.memory_space<hbm>> -> memref<128x128xi32, #tpu.memory_space<hbm>>
    tpu.enqueue_dma source(%arg6 : memref<128x128xi32, #tpu.memory_space<vmem>>) target(%dma_start3A_102 : memref<128x128xi32, #tpu.memory_space<hbm>>) target_semaphore(%arg14 : memref<!tpu.dma_semaphore, #tpu.memory_space<semaphore_mem>>)
    %dma_wait3A_103 = arith.constant 0 : i32
    %dma_wait3A_104 = tpu.memref_slice %arg4[%add3A_78, %dma_wait3A_103] : memref<40960x128xi32, #tpu.memory_space<hbm>> -> memref<128x128xi32, #tpu.memory_space<hbm>>
    %dma_wait3A_105 = arith.constant 0 : i32
    %dma_wait3A_106 = tpu.memref_slice %arg4[%add3A_78, %dma_wait3A_105] : memref<40960x128xi32, #tpu.memory_space<hbm>> -> memref<128x128xi32, #tpu.memory_space<hbm>>
    tpu.wait_dma2 semaphore(%arg17 : memref<!tpu.dma_semaphore, #tpu.memory_space<semaphore_mem>>) src(%arg9 : memref<128x128xi32, #tpu.memory_space<vmem>>) dst(%dma_wait3A_106 : memref<128x128xi32, #tpu.memory_space<hbm>>)
    %dma_start3A_107 = arith.constant 896 : i32
    %dma_start3A_108 = tpu.memref_slice %arg5[%dma_start3A_107] : memref<1280xi32, #tpu.memory_space<vmem>> -> memref<128xi32, #tpu.memory_space<vmem>>
    %dma_start3A_109 = arith.constant 0 : i32
    %dma_start3A_110 = arith.constant 0 : i32
    %dma_start3A_111 = tpu.memref_slice %arg3[%dma_start3A_109, %dma_start3A_110] : memref<253952x128xi32, #tpu.memory_space<hbm>> -> memref<253952x128xi32, #tpu.memory_space<hbm>>
    tpu.enqueue_indirect_dma source(%dma_start3A_111 : memref<253952x128xi32, #tpu.memory_space<hbm>>) target(%arg9 : memref<128x128xi32, #tpu.memory_space<vmem>>) offsets(%dma_start3A_108 : memref<128xi32, #tpu.memory_space<vmem>>) semaphore(%arg13 : memref<!tpu.dma_semaphore, #tpu.memory_space<semaphore_mem>>)
    %dma_wait3A_112 = arith.constant 640 : i32
    %dma_wait3A_113 = tpu.memref_slice %arg5[%dma_wait3A_112] : memref<1280xi32, #tpu.memory_space<vmem>> -> memref<128xi32, #tpu.memory_space<vmem>>
    %dma_wait3A_114 = arith.constant 0 : i32
    %dma_wait3A_115 = arith.constant 0 : i32
    %dma_wait3A_116 = tpu.memref_slice %arg3[%dma_wait3A_114, %dma_wait3A_115] : memref<253952x128xi32, #tpu.memory_space<hbm>> -> memref<253952x128xi32, #tpu.memory_space<hbm>>
    tpu.wait_indirect_dma semaphore(%arg11 : memref<!tpu.dma_semaphore, #tpu.memory_space<semaphore_mem>>) src(%dma_wait3A_116 : memref<253952x128xi32, #tpu.memory_space<hbm>>) dst(%arg7 : memref<128x128xi32, #tpu.memory_space<vmem>>)
    %add3A_117 = arith.constant 640 : i32
    %add3A_118 = arith.addi %mul3A_2, %add3A_117 : i32
    %dma_start3A_119 = arith.constant 0 : i32
    %dma_start3A_120 = tpu.memref_slice %arg4[%add3A_118, %dma_start3A_119] : memref<40960x128xi32, #tpu.memory_space<hbm>> -> memref<128x128xi32, #tpu.memory_space<hbm>>
    %dma_start3A_121 = arith.constant 0 : i32
    %dma_start3A_122 = tpu.memref_slice %arg4[%add3A_118, %dma_start3A_121] : memref<40960x128xi32, #tpu.memory_space<hbm>> -> memref<128x128xi32, #tpu.memory_space<hbm>>
    tpu.enqueue_dma source(%arg7 : memref<128x128xi32, #tpu.memory_space<vmem>>) target(%dma_start3A_122 : memref<128x128xi32, #tpu.memory_space<hbm>>) target_semaphore(%arg15 : memref<!tpu.dma_semaphore, #tpu.memory_space<semaphore_mem>>)
    %dma_wait3A_123 = arith.constant 0 : i32
    %dma_wait3A_124 = tpu.memref_slice %arg4[%add3A_98, %dma_wait3A_123] : memref<40960x128xi32, #tpu.memory_space<hbm>> -> memref<128x128xi32, #tpu.memory_space<hbm>>
    %dma_wait3A_125 = arith.constant 0 : i32
    %dma_wait3A_126 = tpu.memref_slice %arg4[%add3A_98, %dma_wait3A_125] : memref<40960x128xi32, #tpu.memory_space<hbm>> -> memref<128x128xi32, #tpu.memory_space<hbm>>
    tpu.wait_dma2 semaphore(%arg14 : memref<!tpu.dma_semaphore, #tpu.memory_space<semaphore_mem>>) src(%arg6 : memref<128x128xi32, #tpu.memory_space<vmem>>) dst(%dma_wait3A_126 : memref<128x128xi32, #tpu.memory_space<hbm>>)
    %dma_start3A_127 = arith.constant 1024 : i32
    %dma_start3A_128 = tpu.memref_slice %arg5[%dma_start3A_127] : memref<1280xi32, #tpu.memory_space<vmem>> -> memref<128xi32, #tpu.memory_space<vmem>>
    %dma_start3A_129 = arith.constant 0 : i32
    %dma_start3A_130 = arith.constant 0 : i32
    %dma_start3A_131 = tpu.memref_slice %arg3[%dma_start3A_129, %dma_start3A_130] : memref<253952x128xi32, #tpu.memory_space<hbm>> -> memref<253952x128xi32, #tpu.memory_space<hbm>>
    tpu.enqueue_indirect_dma source(%dma_start3A_131 : memref<253952x128xi32, #tpu.memory_space<hbm>>) target(%arg6 : memref<128x128xi32, #tpu.memory_space<vmem>>) offsets(%dma_start3A_128 : memref<128xi32, #tpu.memory_space<vmem>>) semaphore(%arg10 : memref<!tpu.dma_semaphore, #tpu.memory_space<semaphore_mem>>)
    %dma_wait3A_132 = arith.constant 768 : i32
    %dma_wait3A_133 = tpu.memref_slice %arg5[%dma_wait3A_132] : memref<1280xi32, #tpu.memory_space<vmem>> -> memref<128xi32, #tpu.memory_space<vmem>>
    %dma_wait3A_134 = arith.constant 0 : i32
    %dma_wait3A_135 = arith.constant 0 : i32
    %dma_wait3A_136 = tpu.memref_slice %arg3[%dma_wait3A_134, %dma_wait3A_135] : memref<253952x128xi32, #tpu.memory_space<hbm>> -> memref<253952x128xi32, #tpu.memory_space<hbm>>
    tpu.wait_indirect_dma semaphore(%arg12 : memref<!tpu.dma_semaphore, #tpu.memory_space<semaphore_mem>>) src(%dma_wait3A_136 : memref<253952x128xi32, #tpu.memory_space<hbm>>) dst(%arg8 : memref<128x128xi32, #tpu.memory_space<vmem>>)
    %add3A_137 = arith.constant 768 : i32
    %add3A_138 = arith.addi %mul3A_2, %add3A_137 : i32
    %dma_start3A_139 = arith.constant 0 : i32
    %dma_start3A_140 = tpu.memref_slice %arg4[%add3A_138, %dma_start3A_139] : memref<40960x128xi32, #tpu.memory_space<hbm>> -> memref<128x128xi32, #tpu.memory_space<hbm>>
    %dma_start3A_141 = arith.constant 0 : i32
    %dma_start3A_142 = tpu.memref_slice %arg4[%add3A_138, %dma_start3A_141] : memref<40960x128xi32, #tpu.memory_space<hbm>> -> memref<128x128xi32, #tpu.memory_space<hbm>>
    tpu.enqueue_dma source(%arg8 : memref<128x128xi32, #tpu.memory_space<vmem>>) target(%dma_start3A_142 : memref<128x128xi32, #tpu.memory_space<hbm>>) target_semaphore(%arg16 : memref<!tpu.dma_semaphore, #tpu.memory_space<semaphore_mem>>)
    %dma_wait3A_143 = arith.constant 0 : i32
    %dma_wait3A_144 = tpu.memref_slice %arg4[%add3A_118, %dma_wait3A_143] : memref<40960x128xi32, #tpu.memory_space<hbm>> -> memref<128x128xi32, #tpu.memory_space<hbm>>
    %dma_wait3A_145 = arith.constant 0 : i32
    %dma_wait3A_146 = tpu.memref_slice %arg4[%add3A_118, %dma_wait3A_145] : memref<40960x128xi32, #tpu.memory_space<hbm>> -> memref<128x128xi32, #tpu.memory_space<hbm>>
    tpu.wait_dma2 semaphore(%arg15 : memref<!tpu.dma_semaphore, #tpu.memory_space<semaphore_mem>>) src(%arg7 : memref<128x128xi32, #tpu.memory_space<vmem>>) dst(%dma_wait3A_146 : memref<128x128xi32, #tpu.memory_space<hbm>>)
    %dma_start3A_147 = arith.constant 1152 : i32
    %dma_start3A_148 = tpu.memref_slice %arg5[%dma_start3A_147] : memref<1280xi32, #tpu.memory_space<vmem>> -> memref<128xi32, #tpu.memory_space<vmem>>
    %dma_start3A_149 = arith.constant 0 : i32
    %dma_start3A_150 = arith.constant 0 : i32
    %dma_start3A_151 = tpu.memref_slice %arg3[%dma_start3A_149, %dma_start3A_150] : memref<253952x128xi32, #tpu.memory_space<hbm>> -> memref<253952x128xi32, #tpu.memory_space<hbm>>
    tpu.enqueue_indirect_dma source(%dma_start3A_151 : memref<253952x128xi32, #tpu.memory_space<hbm>>) target(%arg7 : memref<128x128xi32, #tpu.memory_space<vmem>>) offsets(%dma_start3A_148 : memref<128xi32, #tpu.memory_space<vmem>>) semaphore(%arg11 : memref<!tpu.dma_semaphore, #tpu.memory_space<semaphore_mem>>)
    %dma_wait3A_152 = arith.constant 896 : i32
    %dma_wait3A_153 = tpu.memref_slice %arg5[%dma_wait3A_152] : memref<1280xi32, #tpu.memory_space<vmem>> -> memref<128xi32, #tpu.memory_space<vmem>>
    %dma_wait3A_154 = arith.constant 0 : i32
    %dma_wait3A_155 = arith.constant 0 : i32
    %dma_wait3A_156 = tpu.memref_slice %arg3[%dma_wait3A_154, %dma_wait3A_155] : memref<253952x128xi32, #tpu.memory_space<hbm>> -> memref<253952x128xi32, #tpu.memory_space<hbm>>
    tpu.wait_indirect_dma semaphore(%arg13 : memref<!tpu.dma_semaphore, #tpu.memory_space<semaphore_mem>>) src(%dma_wait3A_156 : memref<253952x128xi32, #tpu.memory_space<hbm>>) dst(%arg9 : memref<128x128xi32, #tpu.memory_space<vmem>>)
    %add3A_157 = arith.constant 896 : i32
    %add3A_158 = arith.addi %mul3A_2, %add3A_157 : i32
    %dma_start3A_159 = arith.constant 0 : i32
    %dma_start3A_160 = tpu.memref_slice %arg4[%add3A_158, %dma_start3A_159] : memref<40960x128xi32, #tpu.memory_space<hbm>> -> memref<128x128xi32, #tpu.memory_space<hbm>>
    %dma_start3A_161 = arith.constant 0 : i32
    %dma_start3A_162 = tpu.memref_slice %arg4[%add3A_158, %dma_start3A_161] : memref<40960x128xi32, #tpu.memory_space<hbm>> -> memref<128x128xi32, #tpu.memory_space<hbm>>
    tpu.enqueue_dma source(%arg9 : memref<128x128xi32, #tpu.memory_space<vmem>>) target(%dma_start3A_162 : memref<128x128xi32, #tpu.memory_space<hbm>>) target_semaphore(%arg17 : memref<!tpu.dma_semaphore, #tpu.memory_space<semaphore_mem>>)
    %dma_wait3A_163 = arith.constant 1024 : i32
    %dma_wait3A_164 = tpu.memref_slice %arg5[%dma_wait3A_163] : memref<1280xi32, #tpu.memory_space<vmem>> -> memref<128xi32, #tpu.memory_space<vmem>>
    %dma_wait3A_165 = arith.constant 0 : i32
    %dma_wait3A_166 = arith.constant 0 : i32
    %dma_wait3A_167 = tpu.memref_slice %arg3[%dma_wait3A_165, %dma_wait3A_166] : memref<253952x128xi32, #tpu.memory_space<hbm>> -> memref<253952x128xi32, #tpu.memory_space<hbm>>
    tpu.wait_indirect_dma semaphore(%arg10 : memref<!tpu.dma_semaphore, #tpu.memory_space<semaphore_mem>>) src(%dma_wait3A_167 : memref<253952x128xi32, #tpu.memory_space<hbm>>) dst(%arg6 : memref<128x128xi32, #tpu.memory_space<vmem>>)
    %add3A_168 = arith.constant 1024 : i32
    %add3A_169 = arith.addi %mul3A_2, %add3A_168 : i32
    %dma_start3A_170 = arith.constant 0 : i32
    %dma_start3A_171 = tpu.memref_slice %arg4[%add3A_169, %dma_start3A_170] : memref<40960x128xi32, #tpu.memory_space<hbm>> -> memref<128x128xi32, #tpu.memory_space<hbm>>
    %dma_start3A_172 = arith.constant 0 : i32
    %dma_start3A_173 = tpu.memref_slice %arg4[%add3A_169, %dma_start3A_172] : memref<40960x128xi32, #tpu.memory_space<hbm>> -> memref<128x128xi32, #tpu.memory_space<hbm>>
    tpu.enqueue_dma source(%arg6 : memref<128x128xi32, #tpu.memory_space<vmem>>) target(%dma_start3A_173 : memref<128x128xi32, #tpu.memory_space<hbm>>) target_semaphore(%arg14 : memref<!tpu.dma_semaphore, #tpu.memory_space<semaphore_mem>>)
    %dma_wait3A_174 = arith.constant 1152 : i32
    %dma_wait3A_175 = tpu.memref_slice %arg5[%dma_wait3A_174] : memref<1280xi32, #tpu.memory_space<vmem>> -> memref<128xi32, #tpu.memory_space<vmem>>
    %dma_wait3A_176 = arith.constant 0 : i32
    %dma_wait3A_177 = arith.constant 0 : i32
    %dma_wait3A_178 = tpu.memref_slice %arg3[%dma_wait3A_176, %dma_wait3A_177] : memref<253952x128xi32, #tpu.memory_space<hbm>> -> memref<253952x128xi32, #tpu.memory_space<hbm>>
    tpu.wait_indirect_dma semaphore(%arg11 : memref<!tpu.dma_semaphore, #tpu.memory_space<semaphore_mem>>) src(%dma_wait3A_178 : memref<253952x128xi32, #tpu.memory_space<hbm>>) dst(%arg7 : memref<128x128xi32, #tpu.memory_space<vmem>>)
    %add3A_179 = arith.constant 1152 : i32
    %add3A_180 = arith.addi %mul3A_2, %add3A_179 : i32
    %dma_start3A_181 = arith.constant 0 : i32
    %dma_start3A_182 = tpu.memref_slice %arg4[%add3A_180, %dma_start3A_181] : memref<40960x128xi32, #tpu.memory_space<hbm>> -> memref<128x128xi32, #tpu.memory_space<hbm>>
    %dma_start3A_183 = arith.constant 0 : i32
    %dma_start3A_184 = tpu.memref_slice %arg4[%add3A_180, %dma_start3A_183] : memref<40960x128xi32, #tpu.memory_space<hbm>> -> memref<128x128xi32, #tpu.memory_space<hbm>>
    tpu.enqueue_dma source(%arg7 : memref<128x128xi32, #tpu.memory_space<vmem>>) target(%dma_start3A_184 : memref<128x128xi32, #tpu.memory_space<hbm>>) target_semaphore(%arg15 : memref<!tpu.dma_semaphore, #tpu.memory_space<semaphore_mem>>)
    %dma_wait3A_185 = arith.constant 0 : i32
    %dma_wait3A_186 = tpu.memref_slice %arg4[%add3A_169, %dma_wait3A_185] : memref<40960x128xi32, #tpu.memory_space<hbm>> -> memref<128x128xi32, #tpu.memory_space<hbm>>
    %dma_wait3A_187 = arith.constant 0 : i32
    %dma_wait3A_188 = tpu.memref_slice %arg4[%add3A_169, %dma_wait3A_187] : memref<40960x128xi32, #tpu.memory_space<hbm>> -> memref<128x128xi32, #tpu.memory_space<hbm>>
    tpu.wait_dma2 semaphore(%arg14 : memref<!tpu.dma_semaphore, #tpu.memory_space<semaphore_mem>>) src(%arg6 : memref<128x128xi32, #tpu.memory_space<vmem>>) dst(%dma_wait3A_188 : memref<128x128xi32, #tpu.memory_space<hbm>>)
    %dma_wait3A_189 = arith.constant 0 : i32
    %dma_wait3A_190 = tpu.memref_slice %arg4[%add3A_180, %dma_wait3A_189] : memref<40960x128xi32, #tpu.memory_space<hbm>> -> memref<128x128xi32, #tpu.memory_space<hbm>>
    %dma_wait3A_191 = arith.constant 0 : i32
    %dma_wait3A_192 = tpu.memref_slice %arg4[%add3A_180, %dma_wait3A_191] : memref<40960x128xi32, #tpu.memory_space<hbm>> -> memref<128x128xi32, #tpu.memory_space<hbm>>
    tpu.wait_dma2 semaphore(%arg15 : memref<!tpu.dma_semaphore, #tpu.memory_space<semaphore_mem>>) src(%arg7 : memref<128x128xi32, #tpu.memory_space<vmem>>) dst(%dma_wait3A_192 : memref<128x128xi32, #tpu.memory_space<hbm>>)
    return
  }
}

#map = affine_map<(d0, d1) -> (0)>
#map1 = affine_map<(d0, d1) -> (0, 0)>
module attributes {stable_mosaic.version = 14 : i64} {
  func.func @_gather_body(%arg0: i32, %arg1: i32, %arg2: memref<40960xi32, #tpu.memory_space<hbm>>, %arg3: memref<253952x128xi32, #tpu.memory_space<hbm>>, %arg4: memref<40960x128xi32, #tpu.memory_space<hbm>>, %arg5: memref<1280xi32, #tpu.memory_space<vmem>>, %arg6: memref<128x128xi32, #tpu.memory_space<vmem>>, %arg7: memref<128x128xi32, #tpu.memory_space<vmem>>, %arg8: memref<128x128xi32, #tpu.memory_space<vmem>>, %arg9: memref<128x128xi32, #tpu.memory_space<vmem>>, %arg10: memref<!tpu.dma_semaphore, #tpu.memory_space<semaphore_mem>>, %arg11: memref<!tpu.dma_semaphore, #tpu.memory_space<semaphore_mem>>, %arg12: memref<!tpu.dma_semaphore, #tpu.memory_space<semaphore_mem>>, %arg13: memref<!tpu.dma_semaphore, #tpu.memory_space<semaphore_mem>>, %arg14: memref<!tpu.dma_semaphore, #tpu.memory_space<semaphore_mem>>, %arg15: memref<!tpu.dma_semaphore, #tpu.memory_space<semaphore_mem>>, %arg16: memref<!tpu.dma_semaphore, #tpu.memory_space<semaphore_mem>>, %arg17: memref<!tpu.dma_semaphore, #tpu.memory_space<semaphore_mem>>) attributes {dimension_semantics = [#tpu.dimension_semantics<core_parallel>, #tpu.dimension_semantics<subcore_parallel>], iteration_bounds = array<i64: 2, 16>, scalar_prefetch = 0 : i64, scratch_operands = 13 : i64, tpu.core_type = #tpu.core_type<sc_vector_subcore>, window_params = [{transform_indices = #map}, {transform_indices = #map1}, {transform_indices = #map1}]} {
    %mul3A = arith.constant 2 : i32
    %mul3A_0 = arith.muli %arg1, %mul3A : i32
    %add3A = arith.addi %mul3A_0, %arg0 : i32
    %mul3A_1 = arith.constant 1280 : i32
    %mul3A_2 = arith.muli %add3A, %mul3A_1 : i32
    "tpu.region"() ({
      %run_scoped3A = tpu.sem_alloc : memref<!tpu.dma_semaphore, #tpu.memory_space<semaphore_mem>>
      %dma_start3A_193 = tpu.memref_slice %arg2[%mul3A_2] : memref<40960xi32, #tpu.memory_space<hbm>> -> memref<1280xi32, #tpu.memory_space<hbm>>
      %dma_start3A_194 = tpu.memref_slice %arg2[%mul3A_2] : memref<40960xi32, #tpu.memory_space<hbm>> -> memref<1280xi32, #tpu.memory_space<hbm>>
      tpu.enqueue_dma source(%dma_start3A_194 : memref<1280xi32, #tpu.memory_space<hbm>>) target(%arg5 : memref<1280xi32, #tpu.memory_space<vmem>>) target_semaphore(%run_scoped3A : memref<!tpu.dma_semaphore, #tpu.memory_space<semaphore_mem>>)
      %dma_wait3A_195 = tpu.memref_slice %arg2[%mul3A_2] : memref<40960xi32, #tpu.memory_space<hbm>> -> memref<1280xi32, #tpu.memory_space<hbm>>
      %dma_wait3A_196 = tpu.memref_slice %arg2[%mul3A_2] : memref<40960xi32, #tpu.memory_space<hbm>> -> memref<1280xi32, #tpu.memory_space<hbm>>
      tpu.wait_dma2 semaphore(%run_scoped3A : memref<!tpu.dma_semaphore, #tpu.memory_space<semaphore_mem>>) src(%dma_wait3A_196 : memref<1280xi32, #tpu.memory_space<hbm>>) dst(%arg5 : memref<1280xi32, #tpu.memory_space<vmem>>)
      tpu.yield
    }) : () -> ()
    %dma_start3A = arith.constant 0 : i32
    %dma_start3A_3 = tpu.memref_slice %arg5[%dma_start3A] : memref<1280xi32, #tpu.memory_space<vmem>> -> memref<128xi32, #tpu.memory_space<vmem>>
    %dma_start3A_4 = arith.constant 0 : i32
    %dma_start3A_5 = arith.constant 0 : i32
    %dma_start3A_6 = tpu.memref_slice %arg3[%dma_start3A_4, %dma_start3A_5] : memref<253952x128xi32, #tpu.memory_space<hbm>> -> memref<253952x128xi32, #tpu.memory_space<hbm>>
    tpu.enqueue_indirect_dma source(%dma_start3A_6 : memref<253952x128xi32, #tpu.memory_space<hbm>>) target(%arg6 : memref<128x128xi32, #tpu.memory_space<vmem>>) offsets(%dma_start3A_3 : memref<128xi32, #tpu.memory_space<vmem>>) semaphore(%arg10 : memref<!tpu.dma_semaphore, #tpu.memory_space<semaphore_mem>>)
    %dma_start3A_7 = arith.constant 128 : i32
    %dma_start3A_8 = tpu.memref_slice %arg5[%dma_start3A_7] : memref<1280xi32, #tpu.memory_space<vmem>> -> memref<128xi32, #tpu.memory_space<vmem>>
    %dma_start3A_9 = arith.constant 0 : i32
    %dma_start3A_10 = arith.constant 0 : i32
    %dma_start3A_11 = tpu.memref_slice %arg3[%dma_start3A_9, %dma_start3A_10] : memref<253952x128xi32, #tpu.memory_space<hbm>> -> memref<253952x128xi32, #tpu.memory_space<hbm>>
    tpu.enqueue_indirect_dma source(%dma_start3A_11 : memref<253952x128xi32, #tpu.memory_space<hbm>>) target(%arg7 : memref<128x128xi32, #tpu.memory_space<vmem>>) offsets(%dma_start3A_8 : memref<128xi32, #tpu.memory_space<vmem>>) semaphore(%arg11 : memref<!tpu.dma_semaphore, #tpu.memory_space<semaphore_mem>>)
    %dma_start3A_12 = arith.constant 256 : i32
    %dma_start3A_13 = tpu.memref_slice %arg5[%dma_start3A_12] : memref<1280xi32, #tpu.memory_space<vmem>> -> memref<128xi32, #tpu.memory_space<vmem>>
    %dma_start3A_14 = arith.constant 0 : i32
    %dma_start3A_15 = arith.constant 0 : i32
    %dma_start3A_16 = tpu.memref_slice %arg3[%dma_start3A_14, %dma_start3A_15] : memref<253952x128xi32, #tpu.memory_space<hbm>> -> memref<253952x128xi32, #tpu.memory_space<hbm>>
    tpu.enqueue_indirect_dma source(%dma_start3A_16 : memref<253952x128xi32, #tpu.memory_space<hbm>>) target(%arg8 : memref<128x128xi32, #tpu.memory_space<vmem>>) offsets(%dma_start3A_13 : memref<128xi32, #tpu.memory_space<vmem>>) semaphore(%arg12 : memref<!tpu.dma_semaphore, #tpu.memory_space<semaphore_mem>>)
    %dma_wait3A = arith.constant 0 : i32
    %dma_wait3A_17 = tpu.memref_slice %arg5[%dma_wait3A] : memref<1280xi32, #tpu.memory_space<vmem>> -> memref<128xi32, #tpu.memory_space<vmem>>
    %dma_wait3A_18 = arith.constant 0 : i32
    %dma_wait3A_19 = arith.constant 0 : i32
    %dma_wait3A_20 = tpu.memref_slice %arg3[%dma_wait3A_18, %dma_wait3A_19] : memref<253952x128xi32, #tpu.memory_space<hbm>> -> memref<253952x128xi32, #tpu.memory_space<hbm>>
    tpu.wait_indirect_dma semaphore(%arg10 : memref<!tpu.dma_semaphore, #tpu.memory_space<semaphore_mem>>) src(%dma_wait3A_20 : memref<253952x128xi32, #tpu.memory_space<hbm>>) dst(%arg6 : memref<128x128xi32, #tpu.memory_space<vmem>>)
    %add3A_21 = arith.constant 0 : i32
    %add3A_22 = arith.addi %mul3A_2, %add3A_21 : i32
    %dma_start3A_23 = arith.constant 0 : i32
    %dma_start3A_24 = tpu.memref_slice %arg4[%add3A_22, %dma_start3A_23] : memref<40960x128xi32, #tpu.memory_space<hbm>> -> memref<128x128xi32, #tpu.memory_space<hbm>>
    %dma_start3A_25 = arith.constant 0 : i32
    %dma_start3A_26 = tpu.memref_slice %arg4[%add3A_22, %dma_start3A_25] : memref<40960x128xi32, #tpu.memory_space<hbm>> -> memref<128x128xi32, #tpu.memory_space<hbm>>
    tpu.enqueue_dma source(%arg6 : memref<128x128xi32, #tpu.memory_space<vmem>>) target(%dma_start3A_26 : memref<128x128xi32, #tpu.memory_space<hbm>>) target_semaphore(%arg14 : memref<!tpu.dma_semaphore, #tpu.memory_space<semaphore_mem>>)
    %dma_start3A_27 = arith.constant 384 : i32
    %dma_start3A_28 = tpu.memref_slice %arg5[%dma_start3A_27] : memref<1280xi32, #tpu.memory_space<vmem>> -> memref<128xi32, #tpu.memory_space<vmem>>
    %dma_start3A_29 = arith.constant 0 : i32
    %dma_start3A_30 = arith.constant 0 : i32
    %dma_start3A_31 = tpu.memref_slice %arg3[%dma_start3A_29, %dma_start3A_30] : memref<253952x128xi32, #tpu.memory_space<hbm>> -> memref<253952x128xi32, #tpu.memory_space<hbm>>
    tpu.enqueue_indirect_dma source(%dma_start3A_31 : memref<253952x128xi32, #tpu.memory_space<hbm>>) target(%arg9 : memref<128x128xi32, #tpu.memory_space<vmem>>) offsets(%dma_start3A_28 : memref<128xi32, #tpu.memory_space<vmem>>) semaphore(%arg13 : memref<!tpu.dma_semaphore, #tpu.memory_space<semaphore_mem>>)
    %dma_wait3A_32 = arith.constant 128 : i32
    %dma_wait3A_33 = tpu.memref_slice %arg5[%dma_wait3A_32] : memref<1280xi32, #tpu.memory_space<vmem>> -> memref<128xi32, #tpu.memory_space<vmem>>
    %dma_wait3A_34 = arith.constant 0 : i32
    %dma_wait3A_35 = arith.constant 0 : i32
    %dma_wait3A_36 = tpu.memref_slice %arg3[%dma_wait3A_34, %dma_wait3A_35] : memref<253952x128xi32, #tpu.memory_space<hbm>> -> memref<253952x128xi32, #tpu.memory_space<hbm>>
    tpu.wait_indirect_dma semaphore(%arg11 : memref<!tpu.dma_semaphore, #tpu.memory_space<semaphore_mem>>) src(%dma_wait3A_36 : memref<253952x128xi32, #tpu.memory_space<hbm>>) dst(%arg7 : memref<128x128xi32, #tpu.memory_space<vmem>>)
    %add3A_37 = arith.constant 128 : i32
    %add3A_38 = arith.addi %mul3A_2, %add3A_37 : i32
    %dma_start3A_39 = arith.constant 0 : i32
    %dma_start3A_40 = tpu.memref_slice %arg4[%add3A_38, %dma_start3A_39] : memref<40960x128xi32, #tpu.memory_space<hbm>> -> memref<128x128xi32, #tpu.memory_space<hbm>>
    %dma_start3A_41 = arith.constant 0 : i32
    %dma_start3A_42 = tpu.memref_slice %arg4[%add3A_38, %dma_start3A_41] : memref<40960x128xi32, #tpu.memory_space<hbm>> -> memref<128x128xi32, #tpu.memory_space<hbm>>
    tpu.enqueue_dma source(%arg7 : memref<128x128xi32, #tpu.memory_space<vmem>>) target(%dma_start3A_42 : memref<128x128xi32, #tpu.memory_space<hbm>>) target_semaphore(%arg15 : memref<!tpu.dma_semaphore, #tpu.memory_space<semaphore_mem>>)
    %dma_wait3A_43 = arith.constant 0 : i32
    %dma_wait3A_44 = tpu.memref_slice %arg4[%add3A_22, %dma_wait3A_43] : memref<40960x128xi32, #tpu.memory_space<hbm>> -> memref<128x128xi32, #tpu.memory_space<hbm>>
    %dma_wait3A_45 = arith.constant 0 : i32
    %dma_wait3A_46 = tpu.memref_slice %arg4[%add3A_22, %dma_wait3A_45] : memref<40960x128xi32, #tpu.memory_space<hbm>> -> memref<128x128xi32, #tpu.memory_space<hbm>>
    tpu.wait_dma2 semaphore(%arg14 : memref<!tpu.dma_semaphore, #tpu.memory_space<semaphore_mem>>) src(%arg6 : memref<128x128xi32, #tpu.memory_space<vmem>>) dst(%dma_wait3A_46 : memref<128x128xi32, #tpu.memory_space<hbm>>)
    %dma_start3A_47 = arith.constant 512 : i32
    %dma_start3A_48 = tpu.memref_slice %arg5[%dma_start3A_47] : memref<1280xi32, #tpu.memory_space<vmem>> -> memref<128xi32, #tpu.memory_space<vmem>>
    %dma_start3A_49 = arith.constant 0 : i32
    %dma_start3A_50 = arith.constant 0 : i32
    %dma_start3A_51 = tpu.memref_slice %arg3[%dma_start3A_49, %dma_start3A_50] : memref<253952x128xi32, #tpu.memory_space<hbm>> -> memref<253952x128xi32, #tpu.memory_space<hbm>>
    tpu.enqueue_indirect_dma source(%dma_start3A_51 : memref<253952x128xi32, #tpu.memory_space<hbm>>) target(%arg6 : memref<128x128xi32, #tpu.memory_space<vmem>>) offsets(%dma_start3A_48 : memref<128xi32, #tpu.memory_space<vmem>>) semaphore(%arg10 : memref<!tpu.dma_semaphore, #tpu.memory_space<semaphore_mem>>)
    %dma_wait3A_52 = arith.constant 256 : i32
    %dma_wait3A_53 = tpu.memref_slice %arg5[%dma_wait3A_52] : memref<1280xi32, #tpu.memory_space<vmem>> -> memref<128xi32, #tpu.memory_space<vmem>>
    %dma_wait3A_54 = arith.constant 0 : i32
    %dma_wait3A_55 = arith.constant 0 : i32
    %dma_wait3A_56 = tpu.memref_slice %arg3[%dma_wait3A_54, %dma_wait3A_55] : memref<253952x128xi32, #tpu.memory_space<hbm>> -> memref<253952x128xi32, #tpu.memory_space<hbm>>
    tpu.wait_indirect_dma semaphore(%arg12 : memref<!tpu.dma_semaphore, #tpu.memory_space<semaphore_mem>>) src(%dma_wait3A_56 : memref<253952x128xi32, #tpu.memory_space<hbm>>) dst(%arg8 : memref<128x128xi32, #tpu.memory_space<vmem>>)
    %add3A_57 = arith.constant 256 : i32
    %add3A_58 = arith.addi %mul3A_2, %add3A_57 : i32
    %dma_start3A_59 = arith.constant 0 : i32
    %dma_start3A_60 = tpu.memref_slice %arg4[%add3A_58, %dma_start3A_59] : memref<40960x128xi32, #tpu.memory_space<hbm>> -> memref<128x128xi32, #tpu.memory_space<hbm>>
    %dma_start3A_61 = arith.constant 0 : i32
    %dma_start3A_62 = tpu.memref_slice %arg4[%add3A_58, %dma_start3A_61] : memref<40960x128xi32, #tpu.memory_space<hbm>> -> memref<128x128xi32, #tpu.memory_space<hbm>>
    tpu.enqueue_dma source(%arg8 : memref<128x128xi32, #tpu.memory_space<vmem>>) target(%dma_start3A_62 : memref<128x128xi32, #tpu.memory_space<hbm>>) target_semaphore(%arg16 : memref<!tpu.dma_semaphore, #tpu.memory_space<semaphore_mem>>)
    %dma_wait3A_63 = arith.constant 0 : i32
    %dma_wait3A_64 = tpu.memref_slice %arg4[%add3A_38, %dma_wait3A_63] : memref<40960x128xi32, #tpu.memory_space<hbm>> -> memref<128x128xi32, #tpu.memory_space<hbm>>
    %dma_wait3A_65 = arith.constant 0 : i32
    %dma_wait3A_66 = tpu.memref_slice %arg4[%add3A_38, %dma_wait3A_65] : memref<40960x128xi32, #tpu.memory_space<hbm>> -> memref<128x128xi32, #tpu.memory_space<hbm>>
    tpu.wait_dma2 semaphore(%arg15 : memref<!tpu.dma_semaphore, #tpu.memory_space<semaphore_mem>>) src(%arg7 : memref<128x128xi32, #tpu.memory_space<vmem>>) dst(%dma_wait3A_66 : memref<128x128xi32, #tpu.memory_space<hbm>>)
    %dma_start3A_67 = arith.constant 640 : i32
    %dma_start3A_68 = tpu.memref_slice %arg5[%dma_start3A_67] : memref<1280xi32, #tpu.memory_space<vmem>> -> memref<128xi32, #tpu.memory_space<vmem>>
    %dma_start3A_69 = arith.constant 0 : i32
    %dma_start3A_70 = arith.constant 0 : i32
    %dma_start3A_71 = tpu.memref_slice %arg3[%dma_start3A_69, %dma_start3A_70] : memref<253952x128xi32, #tpu.memory_space<hbm>> -> memref<253952x128xi32, #tpu.memory_space<hbm>>
    tpu.enqueue_indirect_dma source(%dma_start3A_71 : memref<253952x128xi32, #tpu.memory_space<hbm>>) target(%arg7 : memref<128x128xi32, #tpu.memory_space<vmem>>) offsets(%dma_start3A_68 : memref<128xi32, #tpu.memory_space<vmem>>) semaphore(%arg11 : memref<!tpu.dma_semaphore, #tpu.memory_space<semaphore_mem>>)
    %dma_wait3A_72 = arith.constant 384 : i32
    %dma_wait3A_73 = tpu.memref_slice %arg5[%dma_wait3A_72] : memref<1280xi32, #tpu.memory_space<vmem>> -> memref<128xi32, #tpu.memory_space<vmem>>
    %dma_wait3A_74 = arith.constant 0 : i32
    %dma_wait3A_75 = arith.constant 0 : i32
    %dma_wait3A_76 = tpu.memref_slice %arg3[%dma_wait3A_74, %dma_wait3A_75] : memref<253952x128xi32, #tpu.memory_space<hbm>> -> memref<253952x128xi32, #tpu.memory_space<hbm>>
    tpu.wait_indirect_dma semaphore(%arg13 : memref<!tpu.dma_semaphore, #tpu.memory_space<semaphore_mem>>) src(%dma_wait3A_76 : memref<253952x128xi32, #tpu.memory_space<hbm>>) dst(%arg9 : memref<128x128xi32, #tpu.memory_space<vmem>>)
    %add3A_77 = arith.constant 384 : i32
    %add3A_78 = arith.addi %mul3A_2, %add3A_77 : i32
    %dma_start3A_79 = arith.constant 0 : i32
    %dma_start3A_80 = tpu.memref_slice %arg4[%add3A_78, %dma_start3A_79] : memref<40960x128xi32, #tpu.memory_space<hbm>> -> memref<128x128xi32, #tpu.memory_space<hbm>>
    %dma_start3A_81 = arith.constant 0 : i32
    %dma_start3A_82 = tpu.memref_slice %arg4[%add3A_78, %dma_start3A_81] : memref<40960x128xi32, #tpu.memory_space<hbm>> -> memref<128x128xi32, #tpu.memory_space<hbm>>
    tpu.enqueue_dma source(%arg9 : memref<128x128xi32, #tpu.memory_space<vmem>>) target(%dma_start3A_82 : memref<128x128xi32, #tpu.memory_space<hbm>>) target_semaphore(%arg17 : memref<!tpu.dma_semaphore, #tpu.memory_space<semaphore_mem>>)
    %dma_wait3A_83 = arith.constant 0 : i32
    %dma_wait3A_84 = tpu.memref_slice %arg4[%add3A_58, %dma_wait3A_83] : memref<40960x128xi32, #tpu.memory_space<hbm>> -> memref<128x128xi32, #tpu.memory_space<hbm>>
    %dma_wait3A_85 = arith.constant 0 : i32
    %dma_wait3A_86 = tpu.memref_slice %arg4[%add3A_58, %dma_wait3A_85] : memref<40960x128xi32, #tpu.memory_space<hbm>> -> memref<128x128xi32, #tpu.memory_space<hbm>>
    tpu.wait_dma2 semaphore(%arg16 : memref<!tpu.dma_semaphore, #tpu.memory_space<semaphore_mem>>) src(%arg8 : memref<128x128xi32, #tpu.memory_space<vmem>>) dst(%dma_wait3A_86 : memref<128x128xi32, #tpu.memory_space<hbm>>)
    %dma_start3A_87 = arith.constant 768 : i32
    %dma_start3A_88 = tpu.memref_slice %arg5[%dma_start3A_87] : memref<1280xi32, #tpu.memory_space<vmem>> -> memref<128xi32, #tpu.memory_space<vmem>>
    %dma_start3A_89 = arith.constant 0 : i32
    %dma_start3A_90 = arith.constant 0 : i32
    %dma_start3A_91 = tpu.memref_slice %arg3[%dma_start3A_89, %dma_start3A_90] : memref<253952x128xi32, #tpu.memory_space<hbm>> -> memref<253952x128xi32, #tpu.memory_space<hbm>>
    tpu.enqueue_indirect_dma source(%dma_start3A_91 : memref<253952x128xi32, #tpu.memory_space<hbm>>) target(%arg8 : memref<128x128xi32, #tpu.memory_space<vmem>>) offsets(%dma_start3A_88 : memref<128xi32, #tpu.memory_space<vmem>>) semaphore(%arg12 : memref<!tpu.dma_semaphore, #tpu.memory_space<semaphore_mem>>)
    %dma_wait3A_92 = arith.constant 512 : i32
    %dma_wait3A_93 = tpu.memref_slice %arg5[%dma_wait3A_92] : memref<1280xi32, #tpu.memory_space<vmem>> -> memref<128xi32, #tpu.memory_space<vmem>>
    %dma_wait3A_94 = arith.constant 0 : i32
    %dma_wait3A_95 = arith.constant 0 : i32
    %dma_wait3A_96 = tpu.memref_slice %arg3[%dma_wait3A_94, %dma_wait3A_95] : memref<253952x128xi32, #tpu.memory_space<hbm>> -> memref<253952x128xi32, #tpu.memory_space<hbm>>
    tpu.wait_indirect_dma semaphore(%arg10 : memref<!tpu.dma_semaphore, #tpu.memory_space<semaphore_mem>>) src(%dma_wait3A_96 : memref<253952x128xi32, #tpu.memory_space<hbm>>) dst(%arg6 : memref<128x128xi32, #tpu.memory_space<vmem>>)
    %add3A_97 = arith.constant 512 : i32
    %add3A_98 = arith.addi %mul3A_2, %add3A_97 : i32
    %dma_start3A_99 = arith.constant 0 : i32
    %dma_start3A_100 = tpu.memref_slice %arg4[%add3A_98, %dma_start3A_99] : memref<40960x128xi32, #tpu.memory_space<hbm>> -> memref<128x128xi32, #tpu.memory_space<hbm>>
    %dma_start3A_101 = arith.constant 0 : i32
    %dma_start3A_102 = tpu.memref_slice %arg4[%add3A_98, %dma_start3A_101] : memref<40960x128xi32, #tpu.memory_space<hbm>> -> memref<128x128xi32, #tpu.memory_space<hbm>>
    tpu.enqueue_dma source(%arg6 : memref<128x128xi32, #tpu.memory_space<vmem>>) target(%dma_start3A_102 : memref<128x128xi32, #tpu.memory_space<hbm>>) target_semaphore(%arg14 : memref<!tpu.dma_semaphore, #tpu.memory_space<semaphore_mem>>)
    %dma_wait3A_103 = arith.constant 0 : i32
    %dma_wait3A_104 = tpu.memref_slice %arg4[%add3A_78, %dma_wait3A_103] : memref<40960x128xi32, #tpu.memory_space<hbm>> -> memref<128x128xi32, #tpu.memory_space<hbm>>
    %dma_wait3A_105 = arith.constant 0 : i32
    %dma_wait3A_106 = tpu.memref_slice %arg4[%add3A_78, %dma_wait3A_105] : memref<40960x128xi32, #tpu.memory_space<hbm>> -> memref<128x128xi32, #tpu.memory_space<hbm>>
    tpu.wait_dma2 semaphore(%arg17 : memref<!tpu.dma_semaphore, #tpu.memory_space<semaphore_mem>>) src(%arg9 : memref<128x128xi32, #tpu.memory_space<vmem>>) dst(%dma_wait3A_106 : memref<128x128xi32, #tpu.memory_space<hbm>>)
    %dma_start3A_107 = arith.constant 896 : i32
    %dma_start3A_108 = tpu.memref_slice %arg5[%dma_start3A_107] : memref<1280xi32, #tpu.memory_space<vmem>> -> memref<128xi32, #tpu.memory_space<vmem>>
    %dma_start3A_109 = arith.constant 0 : i32
    %dma_start3A_110 = arith.constant 0 : i32
    %dma_start3A_111 = tpu.memref_slice %arg3[%dma_start3A_109, %dma_start3A_110] : memref<253952x128xi32, #tpu.memory_space<hbm>> -> memref<253952x128xi32, #tpu.memory_space<hbm>>
    tpu.enqueue_indirect_dma source(%dma_start3A_111 : memref<253952x128xi32, #tpu.memory_space<hbm>>) target(%arg9 : memref<128x128xi32, #tpu.memory_space<vmem>>) offsets(%dma_start3A_108 : memref<128xi32, #tpu.memory_space<vmem>>) semaphore(%arg13 : memref<!tpu.dma_semaphore, #tpu.memory_space<semaphore_mem>>)
    %dma_wait3A_112 = arith.constant 640 : i32
    %dma_wait3A_113 = tpu.memref_slice %arg5[%dma_wait3A_112] : memref<1280xi32, #tpu.memory_space<vmem>> -> memref<128xi32, #tpu.memory_space<vmem>>
    %dma_wait3A_114 = arith.constant 0 : i32
    %dma_wait3A_115 = arith.constant 0 : i32
    %dma_wait3A_116 = tpu.memref_slice %arg3[%dma_wait3A_114, %dma_wait3A_115] : memref<253952x128xi32, #tpu.memory_space<hbm>> -> memref<253952x128xi32, #tpu.memory_space<hbm>>
    tpu.wait_indirect_dma semaphore(%arg11 : memref<!tpu.dma_semaphore, #tpu.memory_space<semaphore_mem>>) src(%dma_wait3A_116 : memref<253952x128xi32, #tpu.memory_space<hbm>>) dst(%arg7 : memref<128x128xi32, #tpu.memory_space<vmem>>)
    %add3A_117 = arith.constant 640 : i32
    %add3A_118 = arith.addi %mul3A_2, %add3A_117 : i32
    %dma_start3A_119 = arith.constant 0 : i32
    %dma_start3A_120 = tpu.memref_slice %arg4[%add3A_118, %dma_start3A_119] : memref<40960x128xi32, #tpu.memory_space<hbm>> -> memref<128x128xi32, #tpu.memory_space<hbm>>
    %dma_start3A_121 = arith.constant 0 : i32
    %dma_start3A_122 = tpu.memref_slice %arg4[%add3A_118, %dma_start3A_121] : memref<40960x128xi32, #tpu.memory_space<hbm>> -> memref<128x128xi32, #tpu.memory_space<hbm>>
    tpu.enqueue_dma source(%arg7 : memref<128x128xi32, #tpu.memory_space<vmem>>) target(%dma_start3A_122 : memref<128x128xi32, #tpu.memory_space<hbm>>) target_semaphore(%arg15 : memref<!tpu.dma_semaphore, #tpu.memory_space<semaphore_mem>>)
    %dma_wait3A_123 = arith.constant 0 : i32
    %dma_wait3A_124 = tpu.memref_slice %arg4[%add3A_98, %dma_wait3A_123] : memref<40960x128xi32, #tpu.memory_space<hbm>> -> memref<128x128xi32, #tpu.memory_space<hbm>>
    %dma_wait3A_125 = arith.constant 0 : i32
    %dma_wait3A_126 = tpu.memref_slice %arg4[%add3A_98, %dma_wait3A_125] : memref<40960x128xi32, #tpu.memory_space<hbm>> -> memref<128x128xi32, #tpu.memory_space<hbm>>
    tpu.wait_dma2 semaphore(%arg14 : memref<!tpu.dma_semaphore, #tpu.memory_space<semaphore_mem>>) src(%arg6 : memref<128x128xi32, #tpu.memory_space<vmem>>) dst(%dma_wait3A_126 : memref<128x128xi32, #tpu.memory_space<hbm>>)
    %dma_start3A_127 = arith.constant 1024 : i32
    %dma_start3A_128 = tpu.memref_slice %arg5[%dma_start3A_127] : memref<1280xi32, #tpu.memory_space<vmem>> -> memref<128xi32, #tpu.memory_space<vmem>>
    %dma_start3A_129 = arith.constant 0 : i32
    %dma_start3A_130 = arith.constant 0 : i32
    %dma_start3A_131 = tpu.memref_slice %arg3[%dma_start3A_129, %dma_start3A_130] : memref<253952x128xi32, #tpu.memory_space<hbm>> -> memref<253952x128xi32, #tpu.memory_space<hbm>>
    tpu.enqueue_indirect_dma source(%dma_start3A_131 : memref<253952x128xi32, #tpu.memory_space<hbm>>) target(%arg6 : memref<128x128xi32, #tpu.memory_space<vmem>>) offsets(%dma_start3A_128 : memref<128xi32, #tpu.memory_space<vmem>>) semaphore(%arg10 : memref<!tpu.dma_semaphore, #tpu.memory_space<semaphore_mem>>)
    %dma_wait3A_132 = arith.constant 768 : i32
    %dma_wait3A_133 = tpu.memref_slice %arg5[%dma_wait3A_132] : memref<1280xi32, #tpu.memory_space<vmem>> -> memref<128xi32, #tpu.memory_space<vmem>>
    %dma_wait3A_134 = arith.constant 0 : i32
    %dma_wait3A_135 = arith.constant 0 : i32
    %dma_wait3A_136 = tpu.memref_slice %arg3[%dma_wait3A_134, %dma_wait3A_135] : memref<253952x128xi32, #tpu.memory_space<hbm>> -> memref<253952x128xi32, #tpu.memory_space<hbm>>
    tpu.wait_indirect_dma semaphore(%arg12 : memref<!tpu.dma_semaphore, #tpu.memory_space<semaphore_mem>>) src(%dma_wait3A_136 : memref<253952x128xi32, #tpu.memory_space<hbm>>) dst(%arg8 : memref<128x128xi32, #tpu.memory_space<vmem>>)
    %add3A_137 = arith.constant 768 : i32
    %add3A_138 = arith.addi %mul3A_2, %add3A_137 : i32
    %dma_start3A_139 = arith.constant 0 : i32
    %dma_start3A_140 = tpu.memref_slice %arg4[%add3A_138, %dma_start3A_139] : memref<40960x128xi32, #tpu.memory_space<hbm>> -> memref<128x128xi32, #tpu.memory_space<hbm>>
    %dma_start3A_141 = arith.constant 0 : i32
    %dma_start3A_142 = tpu.memref_slice %arg4[%add3A_138, %dma_start3A_141] : memref<40960x128xi32, #tpu.memory_space<hbm>> -> memref<128x128xi32, #tpu.memory_space<hbm>>
    tpu.enqueue_dma source(%arg8 : memref<128x128xi32, #tpu.memory_space<vmem>>) target(%dma_start3A_142 : memref<128x128xi32, #tpu.memory_space<hbm>>) target_semaphore(%arg16 : memref<!tpu.dma_semaphore, #tpu.memory_space<semaphore_mem>>)
    %dma_wait3A_143 = arith.constant 0 : i32
    %dma_wait3A_144 = tpu.memref_slice %arg4[%add3A_118, %dma_wait3A_143] : memref<40960x128xi32, #tpu.memory_space<hbm>> -> memref<128x128xi32, #tpu.memory_space<hbm>>
    %dma_wait3A_145 = arith.constant 0 : i32
    %dma_wait3A_146 = tpu.memref_slice %arg4[%add3A_118, %dma_wait3A_145] : memref<40960x128xi32, #tpu.memory_space<hbm>> -> memref<128x128xi32, #tpu.memory_space<hbm>>
    tpu.wait_dma2 semaphore(%arg15 : memref<!tpu.dma_semaphore, #tpu.memory_space<semaphore_mem>>) src(%arg7 : memref<128x128xi32, #tpu.memory_space<vmem>>) dst(%dma_wait3A_146 : memref<128x128xi32, #tpu.memory_space<hbm>>)
    %dma_start3A_147 = arith.constant 1152 : i32
    %dma_start3A_148 = tpu.memref_slice %arg5[%dma_start3A_147] : memref<1280xi32, #tpu.memory_space<vmem>> -> memref<128xi32, #tpu.memory_space<vmem>>
    %dma_start3A_149 = arith.constant 0 : i32
    %dma_start3A_150 = arith.constant 0 : i32
    %dma_start3A_151 = tpu.memref_slice %arg3[%dma_start3A_149, %dma_start3A_150] : memref<253952x128xi32, #tpu.memory_space<hbm>> -> memref<253952x128xi32, #tpu.memory_space<hbm>>
    tpu.enqueue_indirect_dma source(%dma_start3A_151 : memref<253952x128xi32, #tpu.memory_space<hbm>>) target(%arg7 : memref<128x128xi32, #tpu.memory_space<vmem>>) offsets(%dma_start3A_148 : memref<128xi32, #tpu.memory_space<vmem>>) semaphore(%arg11 : memref<!tpu.dma_semaphore, #tpu.memory_space<semaphore_mem>>)
    %dma_wait3A_152 = arith.constant 896 : i32
    %dma_wait3A_153 = tpu.memref_slice %arg5[%dma_wait3A_152] : memref<1280xi32, #tpu.memory_space<vmem>> -> memref<128xi32, #tpu.memory_space<vmem>>
    %dma_wait3A_154 = arith.constant 0 : i32
    %dma_wait3A_155 = arith.constant 0 : i32
    %dma_wait3A_156 = tpu.memref_slice %arg3[%dma_wait3A_154, %dma_wait3A_155] : memref<253952x128xi32, #tpu.memory_space<hbm>> -> memref<253952x128xi32, #tpu.memory_space<hbm>>
    tpu.wait_indirect_dma semaphore(%arg13 : memref<!tpu.dma_semaphore, #tpu.memory_space<semaphore_mem>>) src(%dma_wait3A_156 : memref<253952x128xi32, #tpu.memory_space<hbm>>) dst(%arg9 : memref<128x128xi32, #tpu.memory_space<vmem>>)
    %add3A_157 = arith.constant 896 : i32
    %add3A_158 = arith.addi %mul3A_2, %add3A_157 : i32
    %dma_start3A_159 = arith.constant 0 : i32
    %dma_start3A_160 = tpu.memref_slice %arg4[%add3A_158, %dma_start3A_159] : memref<40960x128xi32, #tpu.memory_space<hbm>> -> memref<128x128xi32, #tpu.memory_space<hbm>>
    %dma_start3A_161 = arith.constant 0 : i32
    %dma_start3A_162 = tpu.memref_slice %arg4[%add3A_158, %dma_start3A_161] : memref<40960x128xi32, #tpu.memory_space<hbm>> -> memref<128x128xi32, #tpu.memory_space<hbm>>
    tpu.enqueue_dma source(%arg9 : memref<128x128xi32, #tpu.memory_space<vmem>>) target(%dma_start3A_162 : memref<128x128xi32, #tpu.memory_space<hbm>>) target_semaphore(%arg17 : memref<!tpu.dma_semaphore, #tpu.memory_space<semaphore_mem>>)
    %dma_wait3A_163 = arith.constant 1024 : i32
    %dma_wait3A_164 = tpu.memref_slice %arg5[%dma_wait3A_163] : memref<1280xi32, #tpu.memory_space<vmem>> -> memref<128xi32, #tpu.memory_space<vmem>>
    %dma_wait3A_165 = arith.constant 0 : i32
    %dma_wait3A_166 = arith.constant 0 : i32
    %dma_wait3A_167 = tpu.memref_slice %arg3[%dma_wait3A_165, %dma_wait3A_166] : memref<253952x128xi32, #tpu.memory_space<hbm>> -> memref<253952x128xi32, #tpu.memory_space<hbm>>
    tpu.wait_indirect_dma semaphore(%arg10 : memref<!tpu.dma_semaphore, #tpu.memory_space<semaphore_mem>>) src(%dma_wait3A_167 : memref<253952x128xi32, #tpu.memory_space<hbm>>) dst(%arg6 : memref<128x128xi32, #tpu.memory_space<vmem>>)
    %add3A_168 = arith.constant 1024 : i32
    %add3A_169 = arith.addi %mul3A_2, %add3A_168 : i32
    %dma_start3A_170 = arith.constant 0 : i32
    %dma_start3A_171 = tpu.memref_slice %arg4[%add3A_169, %dma_start3A_170] : memref<40960x128xi32, #tpu.memory_space<hbm>> -> memref<128x128xi32, #tpu.memory_space<hbm>>
    %dma_start3A_172 = arith.constant 0 : i32
    %dma_start3A_173 = tpu.memref_slice %arg4[%add3A_169, %dma_start3A_172] : memref<40960x128xi32, #tpu.memory_space<hbm>> -> memref<128x128xi32, #tpu.memory_space<hbm>>
    tpu.enqueue_dma source(%arg6 : memref<128x128xi32, #tpu.memory_space<vmem>>) target(%dma_start3A_173 : memref<128x128xi32, #tpu.memory_space<hbm>>) target_semaphore(%arg14 : memref<!tpu.dma_semaphore, #tpu.memory_space<semaphore_mem>>)
    %dma_wait3A_174 = arith.constant 1152 : i32
    %dma_wait3A_175 = tpu.memref_slice %arg5[%dma_wait3A_174] : memref<1280xi32, #tpu.memory_space<vmem>> -> memref<128xi32, #tpu.memory_space<vmem>>
    %dma_wait3A_176 = arith.constant 0 : i32
    %dma_wait3A_177 = arith.constant 0 : i32
    %dma_wait3A_178 = tpu.memref_slice %arg3[%dma_wait3A_176, %dma_wait3A_177] : memref<253952x128xi32, #tpu.memory_space<hbm>> -> memref<253952x128xi32, #tpu.memory_space<hbm>>
    tpu.wait_indirect_dma semaphore(%arg11 : memref<!tpu.dma_semaphore, #tpu.memory_space<semaphore_mem>>) src(%dma_wait3A_178 : memref<253952x128xi32, #tpu.memory_space<hbm>>) dst(%arg7 : memref<128x128xi32, #tpu.memory_space<vmem>>)
    %add3A_179 = arith.constant 1152 : i32
    %add3A_180 = arith.addi %mul3A_2, %add3A_179 : i32
    %dma_start3A_181 = arith.constant 0 : i32
    %dma_start3A_182 = tpu.memref_slice %arg4[%add3A_180, %dma_start3A_181] : memref<40960x128xi32, #tpu.memory_space<hbm>> -> memref<128x128xi32, #tpu.memory_space<hbm>>
    %dma_start3A_183 = arith.constant 0 : i32
    %dma_start3A_184 = tpu.memref_slice %arg4[%add3A_180, %dma_start3A_183] : memref<40960x128xi32, #tpu.memory_space<hbm>> -> memref<128x128xi32, #tpu.memory_space<hbm>>
    tpu.enqueue_dma source(%arg7 : memref<128x128xi32, #tpu.memory_space<vmem>>) target(%dma_start3A_184 : memref<128x128xi32, #tpu.memory_space<hbm>>) target_semaphore(%arg15 : memref<!tpu.dma_semaphore, #tpu.memory_space<semaphore_mem>>)
    %dma_wait3A_185 = arith.constant 0 : i32
    %dma_wait3A_186 = tpu.memref_slice %arg4[%add3A_169, %dma_wait3A_185] : memref<40960x128xi32, #tpu.memory_space<hbm>> -> memref<128x128xi32, #tpu.memory_space<hbm>>
    %dma_wait3A_187 = arith.constant 0 : i32
    %dma_wait3A_188 = tpu.memref_slice %arg4[%add3A_169, %dma_wait3A_187] : memref<40960x128xi32, #tpu.memory_space<hbm>> -> memref<128x128xi32, #tpu.memory_space<hbm>>
    tpu.wait_dma2 semaphore(%arg14 : memref<!tpu.dma_semaphore, #tpu.memory_space<semaphore_mem>>) src(%arg6 : memref<128x128xi32, #tpu.memory_space<vmem>>) dst(%dma_wait3A_188 : memref<128x128xi32, #tpu.memory_space<hbm>>)
    %dma_wait3A_189 = arith.constant 0 : i32
    %dma_wait3A_190 = tpu.memref_slice %arg4[%add3A_180, %dma_wait3A_189] : memref<40960x128xi32, #tpu.memory_space<hbm>> -> memref<128x128xi32, #tpu.memory_space<hbm>>
    %dma_wait3A_191 = arith.constant 0 : i32
    %dma_wait3A_192 = tpu.memref_slice %arg4[%add3A_180, %dma_wait3A_191] : memref<40960x128xi32, #tpu.memory_space<hbm>> -> memref<128x128xi32, #tpu.memory_space<hbm>>
    tpu.wait_dma2 semaphore(%arg15 : memref<!tpu.dma_semaphore, #tpu.memory_space<semaphore_mem>>) src(%arg7 : memref<128x128xi32, #tpu.memory_space<vmem>>) dst(%dma_wait3A_192 : memref<128x128xi32, #tpu.memory_space<hbm>>)
    return
  }
}

module attributes {stable_mosaic.version = 14 : i64} {
  func.func @_reformat_body(%arg0: i32, %arg1: memref<64x32768xf32, #tpu.memory_space<vmem>>, %arg2: memref<8192x128xi32, #tpu.memory_space<vmem>>) attributes {dimension_semantics = [#tpu.dimension_semantics<arbitrary>], iteration_bounds = array<i64: 31>, scalar_prefetch = 0 : i64, scratch_operands = 0 : i64, tpu.core_type = #tpu.core_type<tc>, window_params = [{transform_indices = @transform_0, window_bounds = array<i64: 64, 32768>}, {transform_indices = @transform_1, window_bounds = array<i64: 8192, 128>}]} {
    %get3A = arith.constant 0 : index
    %get3A_0 = arith.constant 0 : index
    %get3A_1 = vector.load %arg1[%get3A, %get3A_0] : memref<64x32768xf32, #tpu.memory_space<vmem>>, vector<64x32768xf32>
    %slice3A = vector.extract_strided_slice %get3A_1 {offsets = [0, 0], sizes = [64, 16384], strides = [1, 1]} : vector<64x32768xf32> to vector<64x16384xf32>
    %slice3A_2 = vector.extract_strided_slice %get3A_1 {offsets = [0, 16384], sizes = [64, 16384], strides = [1, 1]} : vector<64x32768xf32> to vector<64x16384xf32>
    %concatenate3A = tpu.concatenate %slice3A, %slice3A_2 in 0 : vector<64x16384xf32>, vector<64x16384xf32> -> vector<128x16384xf32>
    %transpose3A = tpu.transpose %concatenate3A, [1, 0] : vector<128x16384xf32> -> vector<16384x128xf32>
    %bitcast_convert_type3A = tpu.bitcast %transpose3A : vector<16384x128xf32> -> vector<16384x128xi32>
    %add3A = arith.constant 32767 : i32
    %add3A_3 = vector.broadcast %add3A : i32 to vector<16384x128xi32>
    %add3A_4 = arith.addi %bitcast_convert_type3A, %add3A_3 : vector<16384x128xi32>
    %shift_right_logical3A = arith.constant 16 : i32
    %shift_right_logical3A_5 = vector.broadcast %shift_right_logical3A : i32 to vector<16384x128xi32>
    %shift_right_logical3A_6 = arith.shrui %bitcast_convert_type3A, %shift_right_logical3A_5 : vector<16384x128xi32>
    %and3A = arith.constant 1 : i32
    %and3A_7 = vector.broadcast %and3A : i32 to vector<16384x128xi32>
    %and3A_8 = arith.andi %shift_right_logical3A_6, %and3A_7 : vector<16384x128xi32>
    %add3A_9 = arith.addi %add3A_4, %and3A_8 : vector<16384x128xi32>
    %shift_right_logical3A_10 = arith.constant 16 : i32
    %shift_right_logical3A_11 = vector.broadcast %shift_right_logical3A_10 : i32 to vector<16384x128xi32>
    %shift_right_logical3A_12 = arith.shrui %add3A_9, %shift_right_logical3A_11 : vector<16384x128xi32>
    %slice3A_13 = vector.extract_strided_slice %shift_right_logical3A_12 {offsets = [0, 0], sizes = [8192, 128], strides = [1, 1]} : vector<16384x128xi32> to vector<8192x128xi32>
    %slice3A_14 = vector.extract_strided_slice %shift_right_logical3A_12 {offsets = [8192, 0], sizes = [8192, 128], strides = [1, 1]} : vector<16384x128xi32> to vector<8192x128xi32>
    %shift_left3A = arith.constant 16 : i32
    %shift_left3A_15 = vector.broadcast %shift_left3A : i32 to vector<8192x128xi32>
    %shift_left3A_16 = arith.shli %slice3A_14, %shift_left3A_15 : vector<8192x128xi32>
    %or3A = arith.ori %slice3A_13, %shift_left3A_16 : vector<8192x128xi32>
    %swap3A = arith.constant 0 : index
    %swap3A_17 = arith.constant 0 : index
    %swap3A_18 = vector.load %arg2[%swap3A, %swap3A_17] : memref<8192x128xi32, #tpu.memory_space<vmem>>, vector<8192x128xi32>
    tpu.vector_store %arg2[%swap3A, %swap3A_17], %or3A {strides = array<i32>} : memref<8192x128xi32, #tpu.memory_space<vmem>>, vector<8192x128xi32>,
    return
  }
  func.func @transform_0(%arg0: i32) -> (i32, i32) {
    %c0_i32 = arith.constant 0 : i32
    %c0_i32_0 = arith.constant 0 : i32
    return %c0_i32, %arg0 : i32, i32
  }
  func.func @transform_1(%arg0: i32) -> (i32, i32) {
    %c0_i32 = arith.constant 0 : i32
    %c0_i32_0 = arith.constant 0 : i32
    return %arg0, %c0_i32 : i32, i32
  }
}

module attributes {stable_mosaic.version = 14 : i64} {
  func.func @_mlp_body(%arg0: i32, %arg1: memref<5x2048x128xi32, #tpu.memory_space<vmem>>, %arg2: memref<2048x5xi32, #tpu.memory_space<vmem>>, %arg3: memref<5x64x64xbf16, #tpu.memory_space<vmem>>, %arg4: memref<1x64xf32, #tpu.memory_space<vmem>>, %arg5: memref<64x32xf32, #tpu.memory_space<vmem>>, %arg6: memref<1x32xf32, #tpu.memory_space<vmem>>, %arg7: memref<2048x32xf32, #tpu.memory_space<vmem>>) attributes {dimension_semantics = [#tpu.dimension_semantics<arbitrary>], iteration_bounds = array<i64: 4>, scalar_prefetch = 0 : i64, scratch_operands = 0 : i64, tpu.core_type = #tpu.core_type<tc>, window_params = [{transform_indices = @transform_0, window_bounds = array<i64: 5, 2048, 128>}, {transform_indices = @transform_1, window_bounds = array<i64: 2048, 5>}, {pipeline_mode = #tpu.pipeline_mode<synchronous>, transform_indices = @transform_2, window_bounds = array<i64: 5, 64, 64>}, {pipeline_mode = #tpu.pipeline_mode<synchronous>, transform_indices = @transform_3, window_bounds = array<i64: 1, 64>}, {pipeline_mode = #tpu.pipeline_mode<synchronous>, transform_indices = @transform_4, window_bounds = array<i64: 64, 32>}, {pipeline_mode = #tpu.pipeline_mode<synchronous>, transform_indices = @transform_5, window_bounds = array<i64: 1, 32>}, {transform_indices = @transform_6, window_bounds = array<i64: 2048, 32>}]} {
    %broadcast_in_dim3A = arith.constant 0.000000e+00 : f32
    %broadcast_in_dim3A_0 = vector.broadcast %broadcast_in_dim3A : f32 to vector<2048x64xf32>
    %get3A = arith.constant 0 : index
    %get3A_1 = arith.constant 0 : index
    %get3A_2 = vector.load %arg4[%get3A, %get3A_1] : memref<1x64xf32, #tpu.memory_space<vmem>>, vector<1x64xf32>
    %add3A = vector.broadcast %get3A_2 : vector<1x64xf32> to vector<2048x64xf32>
    %add3A_3 = arith.addf %broadcast_in_dim3A_0, %add3A : vector<2048x64xf32>
    %get3A_4 = arith.constant 0 : index
    %get3A_5 = arith.constant 0 : index
    %get3A_6 = arith.constant 0 : index
    %get3A_7 = vector.load %arg1[%get3A_4, %get3A_5, %get3A_6] : memref<5x2048x128xi32, #tpu.memory_space<vmem>>, vector<1x2048x128xi32>
    %get3A_8 = vector.shape_cast %get3A_7 : vector<1x2048x128xi32> to vector<2048x128xi32>
    %get3A_9 = arith.constant 0 : index
    %get3A_10 = arith.constant 0 : index
    %get3A_11 = vector.load %arg2[%get3A_9, %get3A_10] : memref<2048x5xi32, #tpu.memory_space<vmem>>, vector<2048x1xi32>
    %get3A_12 = vector.shape_cast %get3A_11 : vector<2048x1xi32> to vector<2048xi32>
    %reshape3A = vector.shape_cast %get3A_12 : vector<2048xi32> to vector<2048x1xi32>
    %shift_right_logical3A = arith.constant 13 : i32
    %shift_right_logical3A_13 = vector.broadcast %shift_right_logical3A : i32 to vector<2048x1xi32>
    %shift_right_logical3A_14 = arith.shrui %reshape3A, %shift_right_logical3A_13 : vector<2048x1xi32>
    %and3A = arith.constant 1 : i32
    %and3A_15 = vector.broadcast %and3A : i32 to vector<2048x1xi32>
    %and3A_16 = arith.andi %shift_right_logical3A_14, %and3A_15 : vector<2048x1xi32>
    %sub3A = arith.constant 1 : i32
    %sub3A_17 = vector.broadcast %sub3A : i32 to vector<2048x1xi32>
    %sub3A_18 = arith.subi %sub3A_17, %and3A_16 : vector<2048x1xi32>
    %mul3A = arith.constant 16 : i32
    %mul3A_19 = vector.broadcast %mul3A : i32 to vector<2048x1xi32>
    %mul3A_20 = arith.muli %sub3A_18, %mul3A_19 : vector<2048x1xi32>
    %shift_left3A = vector.broadcast %mul3A_20 : vector<2048x1xi32> to vector<2048x128xi32>
    %shift_left3A_21 = arith.shli %get3A_8, %shift_left3A : vector<2048x128xi32>
    %and3A_22 = arith.constant -65536 : i32
    %and3A_23 = vector.broadcast %and3A_22 : i32 to vector<2048x128xi32>
    %and3A_24 = arith.andi %shift_left3A_21, %and3A_23 : vector<2048x128xi32>
    %bitcast_convert_type3A = tpu.bitcast %and3A_24 : vector<2048x128xi32> -> vector<2048x128xf32>
    %shift_right_logical3A_25 = arith.constant 14 : i32
    %shift_right_logical3A_26 = vector.broadcast %shift_right_logical3A_25 : i32 to vector<2048x1xi32>
    %shift_right_logical3A_27 = arith.shrui %reshape3A, %shift_right_logical3A_26 : vector<2048x1xi32>
    %and3A_28 = arith.constant 1 : i32
    %and3A_29 = vector.broadcast %and3A_28 : i32 to vector<2048x1xi32>
    %and3A_30 = arith.andi %shift_right_logical3A_27, %and3A_29 : vector<2048x1xi32>
    %gt3A = arith.constant 0 : i32
    %gt3A_31 = vector.broadcast %gt3A : i32 to vector<2048x1xi32>
    %gt3A_32 = arith.cmpi sgt, %and3A_30, %gt3A_31 : vector<2048x1xi32>
    %slice3A = vector.extract_strided_slice %bitcast_convert_type3A {offsets = [0, 64], sizes = [2048, 64], strides = [1, 1]} : vector<2048x128xf32> to vector<2048x64xf32>
    %slice3A_33 = vector.extract_strided_slice %bitcast_convert_type3A {offsets = [0, 0], sizes = [2048, 64], strides = [1, 1]} : vector<2048x128xf32> to vector<2048x64xf32>
    %broadcast_in_dim3A_34 = vector.shape_cast %gt3A_32 : vector<2048x1xi1> to vector<2048x1xi1>
    %broadcast_in_dim3A_35 = vector.broadcast %broadcast_in_dim3A_34 : vector<2048x1xi1> to vector<2048x64xi1>
    %select_n3A = arith.select %broadcast_in_dim3A_35, %slice3A, %slice3A_33 : vector<2048x64xi1>, vector<2048x64xf32>
    %convert_element_type3A = arith.truncf %select_n3A : vector<2048x64xf32> to vector<2048x64xbf16>
    %get3A_36 = arith.constant 0 : index
    %get3A_37 = arith.constant 0 : index
    %get3A_38 = arith.constant 0 : index
    %get3A_39 = vector.load %arg3[%get3A_36, %get3A_37, %get3A_38] : memref<5x64x64xbf16, #tpu.memory_space<vmem>>, vector<1x64x64xbf16>
    %get3A_40 = vector.shape_cast %get3A_39 : vector<1x64x64xbf16> to vector<64x64xbf16>
    %dot_general3A = arith.constant dense<0.000000e+00> : vector<2048x64xf32>
    %dot_general3A_41 = tpu.matmul %convert_element_type3A, %get3A_40, %dot_general3A {dimension_numbers = #tpu.dot_dimension_numbers<[1], [0], [0], [1], [0, 0, 1, 1], [], []>, transpose_lhs_hint = false} : vector<2048x64xbf16>, vector<64x64xbf16>, vector<2048x64xf32> -> vector<2048x64xf32>
    %add3A_42 = arith.addf %add3A_3, %dot_general3A_41 : vector<2048x64xf32>
    %get3A_43 = arith.constant 1 : index
    %get3A_44 = arith.constant 0 : index
    %get3A_45 = arith.constant 0 : index
    %get3A_46 = vector.load %arg1[%get3A_43, %get3A_44, %get3A_45] : memref<5x2048x128xi32, #tpu.memory_space<vmem>>, vector<1x2048x128xi32>
    %get3A_47 = vector.shape_cast %get3A_46 : vector<1x2048x128xi32> to vector<2048x128xi32>
    %get3A_48 = arith.constant 0 : index
    %get3A_49 = arith.constant 1 : index
    %get3A_50 = vector.load %arg2[%get3A_48, %get3A_49] : memref<2048x5xi32, #tpu.memory_space<vmem>>, vector<2048x1xi32>
    %get3A_51 = vector.shape_cast %get3A_50 : vector<2048x1xi32> to vector<2048xi32>
    %reshape3A_52 = vector.shape_cast %get3A_51 : vector<2048xi32> to vector<2048x1xi32>
    %shift_right_logical3A_53 = arith.constant 13 : i32
    %shift_right_logical3A_54 = vector.broadcast %shift_right_logical3A_53 : i32 to vector<2048x1xi32>
    %shift_right_logical3A_55 = arith.shrui %reshape3A_52, %shift_right_logical3A_54 : vector<2048x1xi32>
    %and3A_56 = arith.constant 1 : i32
    %and3A_57 = vector.broadcast %and3A_56 : i32 to vector<2048x1xi32>
    %and3A_58 = arith.andi %shift_right_logical3A_55, %and3A_57 : vector<2048x1xi32>
    %sub3A_59 = arith.constant 1 : i32
    %sub3A_60 = vector.broadcast %sub3A_59 : i32 to vector<2048x1xi32>
    %sub3A_61 = arith.subi %sub3A_60, %and3A_58 : vector<2048x1xi32>
    %mul3A_62 = arith.constant 16 : i32
    %mul3A_63 = vector.broadcast %mul3A_62 : i32 to vector<2048x1xi32>
    %mul3A_64 = arith.muli %sub3A_61, %mul3A_63 : vector<2048x1xi32>
    %shift_left3A_65 = vector.broadcast %mul3A_64 : vector<2048x1xi32> to vector<2048x128xi32>
    %shift_left3A_66 = arith.shli %get3A_47, %shift_left3A_65 : vector<2048x128xi32>
    %and3A_67 = arith.constant -65536 : i32
    %and3A_68 = vector.broadcast %and3A_67 : i32 to vector<2048x128xi32>
    %and3A_69 = arith.andi %shift_left3A_66, %and3A_68 : vector<2048x128xi32>
    %bitcast_convert_type3A_70 = tpu.bitcast %and3A_69 : vector<2048x128xi32> -> vector<2048x128xf32>
    %shift_right_logical3A_71 = arith.constant 14 : i32
    %shift_right_logical3A_72 = vector.broadcast %shift_right_logical3A_71 : i32 to vector<2048x1xi32>
    %shift_right_logical3A_73 = arith.shrui %reshape3A_52, %shift_right_logical3A_72 : vector<2048x1xi32>
    %and3A_74 = arith.constant 1 : i32
    %and3A_75 = vector.broadcast %and3A_74 : i32 to vector<2048x1xi32>
    %and3A_76 = arith.andi %shift_right_logical3A_73, %and3A_75 : vector<2048x1xi32>
    %gt3A_77 = arith.constant 0 : i32
    %gt3A_78 = vector.broadcast %gt3A_77 : i32 to vector<2048x1xi32>
    %gt3A_79 = arith.cmpi sgt, %and3A_76, %gt3A_78 : vector<2048x1xi32>
    %slice3A_80 = vector.extract_strided_slice %bitcast_convert_type3A_70 {offsets = [0, 64], sizes = [2048, 64], strides = [1, 1]} : vector<2048x128xf32> to vector<2048x64xf32>
    %slice3A_81 = vector.extract_strided_slice %bitcast_convert_type3A_70 {offsets = [0, 0], sizes = [2048, 64], strides = [1, 1]} : vector<2048x128xf32> to vector<2048x64xf32>
    %broadcast_in_dim3A_82 = vector.shape_cast %gt3A_79 : vector<2048x1xi1> to vector<2048x1xi1>
    %broadcast_in_dim3A_83 = vector.broadcast %broadcast_in_dim3A_82 : vector<2048x1xi1> to vector<2048x64xi1>
    %select_n3A_84 = arith.select %broadcast_in_dim3A_83, %slice3A_80, %slice3A_81 : vector<2048x64xi1>, vector<2048x64xf32>
    %convert_element_type3A_85 = arith.truncf %select_n3A_84 : vector<2048x64xf32> to vector<2048x64xbf16>
    %get3A_86 = arith.constant 1 : index
    %get3A_87 = arith.constant 0 : index
    %get3A_88 = arith.constant 0 : index
    %get3A_89 = vector.load %arg3[%get3A_86, %get3A_87, %get3A_88] : memref<5x64x64xbf16, #tpu.memory_space<vmem>>, vector<1x64x64xbf16>
    %get3A_90 = vector.shape_cast %get3A_89 : vector<1x64x64xbf16> to vector<64x64xbf16>
    %dot_general3A_91 = arith.constant dense<0.000000e+00> : vector<2048x64xf32>
    %dot_general3A_92 = tpu.matmul %convert_element_type3A_85, %get3A_90, %dot_general3A_91 {dimension_numbers = #tpu.dot_dimension_numbers<[1], [0], [0], [1], [0, 0, 1, 1], [], []>, transpose_lhs_hint = false} : vector<2048x64xbf16>, vector<64x64xbf16>, vector<2048x64xf32> -> vector<2048x64xf32>
    %add3A_93 = arith.addf %add3A_42, %dot_general3A_92 : vector<2048x64xf32>
    %get3A_94 = arith.constant 2 : index
    %get3A_95 = arith.constant 0 : index
    %get3A_96 = arith.constant 0 : index
    %get3A_97 = vector.load %arg1[%get3A_94, %get3A_95, %get3A_96] : memref<5x2048x128xi32, #tpu.memory_space<vmem>>, vector<1x2048x128xi32>
    %get3A_98 = vector.shape_cast %get3A_97 : vector<1x2048x128xi32> to vector<2048x128xi32>
    %get3A_99 = arith.constant 0 : index
    %get3A_100 = arith.constant 2 : index
    %get3A_101 = vector.load %arg2[%get3A_99, %get3A_100] : memref<2048x5xi32, #tpu.memory_space<vmem>>, vector<2048x1xi32>
    %get3A_102 = vector.shape_cast %get3A_101 : vector<2048x1xi32> to vector<2048xi32>
    %reshape3A_103 = vector.shape_cast %get3A_102 : vector<2048xi32> to vector<2048x1xi32>
    %shift_right_logical3A_104 = arith.constant 13 : i32
    %shift_right_logical3A_105 = vector.broadcast %shift_right_logical3A_104 : i32 to vector<2048x1xi32>
    %shift_right_logical3A_106 = arith.shrui %reshape3A_103, %shift_right_logical3A_105 : vector<2048x1xi32>
    %and3A_107 = arith.constant 1 : i32
    %and3A_108 = vector.broadcast %and3A_107 : i32 to vector<2048x1xi32>
    %and3A_109 = arith.andi %shift_right_logical3A_106, %and3A_108 : vector<2048x1xi32>
    %sub3A_110 = arith.constant 1 : i32
    %sub3A_111 = vector.broadcast %sub3A_110 : i32 to vector<2048x1xi32>
    %sub3A_112 = arith.subi %sub3A_111, %and3A_109 : vector<2048x1xi32>
    %mul3A_113 = arith.constant 16 : i32
    %mul3A_114 = vector.broadcast %mul3A_113 : i32 to vector<2048x1xi32>
    %mul3A_115 = arith.muli %sub3A_112, %mul3A_114 : vector<2048x1xi32>
    %shift_left3A_116 = vector.broadcast %mul3A_115 : vector<2048x1xi32> to vector<2048x128xi32>
    %shift_left3A_117 = arith.shli %get3A_98, %shift_left3A_116 : vector<2048x128xi32>
    %and3A_118 = arith.constant -65536 : i32
    %and3A_119 = vector.broadcast %and3A_118 : i32 to vector<2048x128xi32>
    %and3A_120 = arith.andi %shift_left3A_117, %and3A_119 : vector<2048x128xi32>
    %bitcast_convert_type3A_121 = tpu.bitcast %and3A_120 : vector<2048x128xi32> -> vector<2048x128xf32>
    %shift_right_logical3A_122 = arith.constant 14 : i32
    %shift_right_logical3A_123 = vector.broadcast %shift_right_logical3A_122 : i32 to vector<2048x1xi32>
    %shift_right_logical3A_124 = arith.shrui %reshape3A_103, %shift_right_logical3A_123 : vector<2048x1xi32>
    %and3A_125 = arith.constant 1 : i32
    %and3A_126 = vector.broadcast %and3A_125 : i32 to vector<2048x1xi32>
    %and3A_127 = arith.andi %shift_right_logical3A_124, %and3A_126 : vector<2048x1xi32>
    %gt3A_128 = arith.constant 0 : i32
    %gt3A_129 = vector.broadcast %gt3A_128 : i32 to vector<2048x1xi32>
    %gt3A_130 = arith.cmpi sgt, %and3A_127, %gt3A_129 : vector<2048x1xi32>
    %slice3A_131 = vector.extract_strided_slice %bitcast_convert_type3A_121 {offsets = [0, 64], sizes = [2048, 64], strides = [1, 1]} : vector<2048x128xf32> to vector<2048x64xf32>
    %slice3A_132 = vector.extract_strided_slice %bitcast_convert_type3A_121 {offsets = [0, 0], sizes = [2048, 64], strides = [1, 1]} : vector<2048x128xf32> to vector<2048x64xf32>
    %broadcast_in_dim3A_133 = vector.shape_cast %gt3A_130 : vector<2048x1xi1> to vector<2048x1xi1>
    %broadcast_in_dim3A_134 = vector.broadcast %broadcast_in_dim3A_133 : vector<2048x1xi1> to vector<2048x64xi1>
    %select_n3A_135 = arith.select %broadcast_in_dim3A_134, %slice3A_131, %slice3A_132 : vector<2048x64xi1>, vector<2048x64xf32>
    %convert_element_type3A_136 = arith.truncf %select_n3A_135 : vector<2048x64xf32> to vector<2048x64xbf16>
    %get3A_137 = arith.constant 2 : index
    %get3A_138 = arith.constant 0 : index
    %get3A_139 = arith.constant 0 : index
    %get3A_140 = vector.load %arg3[%get3A_137, %get3A_138, %get3A_139] : memref<5x64x64xbf16, #tpu.memory_space<vmem>>, vector<1x64x64xbf16>
    %get3A_141 = vector.shape_cast %get3A_140 : vector<1x64x64xbf16> to vector<64x64xbf16>
    %dot_general3A_142 = arith.constant dense<0.000000e+00> : vector<2048x64xf32>
    %dot_general3A_143 = tpu.matmul %convert_element_type3A_136, %get3A_141, %dot_general3A_142 {dimension_numbers = #tpu.dot_dimension_numbers<[1], [0], [0], [1], [0, 0, 1, 1], [], []>, transpose_lhs_hint = false} : vector<2048x64xbf16>, vector<64x64xbf16>, vector<2048x64xf32> -> vector<2048x64xf32>
    %add3A_144 = arith.addf %add3A_93, %dot_general3A_143 : vector<2048x64xf32>
    %get3A_145 = arith.constant 3 : index
    %get3A_146 = arith.constant 0 : index
    %get3A_147 = arith.constant 0 : index
    %get3A_148 = vector.load %arg1[%get3A_145, %get3A_146, %get3A_147] : memref<5x2048x128xi32, #tpu.memory_space<vmem>>, vector<1x2048x128xi32>
    %get3A_149 = vector.shape_cast %get3A_148 : vector<1x2048x128xi32> to vector<2048x128xi32>
    %get3A_150 = arith.constant 0 : index
    %get3A_151 = arith.constant 3 : index
    %get3A_152 = vector.load %arg2[%get3A_150, %get3A_151] : memref<2048x5xi32, #tpu.memory_space<vmem>>, vector<2048x1xi32>
    %get3A_153 = vector.shape_cast %get3A_152 : vector<2048x1xi32> to vector<2048xi32>
    %reshape3A_154 = vector.shape_cast %get3A_153 : vector<2048xi32> to vector<2048x1xi32>
    %shift_right_logical3A_155 = arith.constant 13 : i32
    %shift_right_logical3A_156 = vector.broadcast %shift_right_logical3A_155 : i32 to vector<2048x1xi32>
    %shift_right_logical3A_157 = arith.shrui %reshape3A_154, %shift_right_logical3A_156 : vector<2048x1xi32>
    %and3A_158 = arith.constant 1 : i32
    %and3A_159 = vector.broadcast %and3A_158 : i32 to vector<2048x1xi32>
    %and3A_160 = arith.andi %shift_right_logical3A_157, %and3A_159 : vector<2048x1xi32>
    %sub3A_161 = arith.constant 1 : i32
    %sub3A_162 = vector.broadcast %sub3A_161 : i32 to vector<2048x1xi32>
    %sub3A_163 = arith.subi %sub3A_162, %and3A_160 : vector<2048x1xi32>
    %mul3A_164 = arith.constant 16 : i32
    %mul3A_165 = vector.broadcast %mul3A_164 : i32 to vector<2048x1xi32>
    %mul3A_166 = arith.muli %sub3A_163, %mul3A_165 : vector<2048x1xi32>
    %shift_left3A_167 = vector.broadcast %mul3A_166 : vector<2048x1xi32> to vector<2048x128xi32>
    %shift_left3A_168 = arith.shli %get3A_149, %shift_left3A_167 : vector<2048x128xi32>
    %and3A_169 = arith.constant -65536 : i32
    %and3A_170 = vector.broadcast %and3A_169 : i32 to vector<2048x128xi32>
    %and3A_171 = arith.andi %shift_left3A_168, %and3A_170 : vector<2048x128xi32>
    %bitcast_convert_type3A_172 = tpu.bitcast %and3A_171 : vector<2048x128xi32> -> vector<2048x128xf32>
    %shift_right_logical3A_173 = arith.constant 14 : i32
    %shift_right_logical3A_174 = vector.broadcast %shift_right_logical3A_173 : i32 to vector<2048x1xi32>
    %shift_right_logical3A_175 = arith.shrui %reshape3A_154, %shift_right_logical3A_174 : vector<2048x1xi32>
    %and3A_176 = arith.constant 1 : i32
    %and3A_177 = vector.broadcast %and3A_176 : i32 to vector<2048x1xi32>
    %and3A_178 = arith.andi %shift_right_logical3A_175, %and3A_177 : vector<2048x1xi32>
    %gt3A_179 = arith.constant 0 : i32
    %gt3A_180 = vector.broadcast %gt3A_179 : i32 to vector<2048x1xi32>
    %gt3A_181 = arith.cmpi sgt, %and3A_178, %gt3A_180 : vector<2048x1xi32>
    %slice3A_182 = vector.extract_strided_slice %bitcast_convert_type3A_172 {offsets = [0, 64], sizes = [2048, 64], strides = [1, 1]} : vector<2048x128xf32> to vector<2048x64xf32>
    %slice3A_183 = vector.extract_strided_slice %bitcast_convert_type3A_172 {offsets = [0, 0], sizes = [2048, 64], strides = [1, 1]} : vector<2048x128xf32> to vector<2048x64xf32>
    %broadcast_in_dim3A_184 = vector.shape_cast %gt3A_181 : vector<2048x1xi1> to vector<2048x1xi1>
    %broadcast_in_dim3A_185 = vector.broadcast %broadcast_in_dim3A_184 : vector<2048x1xi1> to vector<2048x64xi1>
    %select_n3A_186 = arith.select %broadcast_in_dim3A_185, %slice3A_182, %slice3A_183 : vector<2048x64xi1>, vector<2048x64xf32>
    %convert_element_type3A_187 = arith.truncf %select_n3A_186 : vector<2048x64xf32> to vector<2048x64xbf16>
    %get3A_188 = arith.constant 3 : index
    %get3A_189 = arith.constant 0 : index
    %get3A_190 = arith.constant 0 : index
    %get3A_191 = vector.load %arg3[%get3A_188, %get3A_189, %get3A_190] : memref<5x64x64xbf16, #tpu.memory_space<vmem>>, vector<1x64x64xbf16>
    %get3A_192 = vector.shape_cast %get3A_191 : vector<1x64x64xbf16> to vector<64x64xbf16>
    %dot_general3A_193 = arith.constant dense<0.000000e+00> : vector<2048x64xf32>
    %dot_general3A_194 = tpu.matmul %convert_element_type3A_187, %get3A_192, %dot_general3A_193 {dimension_numbers = #tpu.dot_dimension_numbers<[1], [0], [0], [1], [0, 0, 1, 1], [], []>, transpose_lhs_hint = false} : vector<2048x64xbf16>, vector<64x64xbf16>, vector<2048x64xf32> -> vector<2048x64xf32>
    %add3A_195 = arith.addf %add3A_144, %dot_general3A_194 : vector<2048x64xf32>
    %get3A_196 = arith.constant 4 : index
    %get3A_197 = arith.constant 0 : index
    %get3A_198 = arith.constant 0 : index
    %get3A_199 = vector.load %arg1[%get3A_196, %get3A_197, %get3A_198] : memref<5x2048x128xi32, #tpu.memory_space<vmem>>, vector<1x2048x128xi32>
    %get3A_200 = vector.shape_cast %get3A_199 : vector<1x2048x128xi32> to vector<2048x128xi32>
    %get3A_201 = arith.constant 0 : index
    %get3A_202 = arith.constant 4 : index
    %get3A_203 = vector.load %arg2[%get3A_201, %get3A_202] : memref<2048x5xi32, #tpu.memory_space<vmem>>, vector<2048x1xi32>
    %get3A_204 = vector.shape_cast %get3A_203 : vector<2048x1xi32> to vector<2048xi32>
    %reshape3A_205 = vector.shape_cast %get3A_204 : vector<2048xi32> to vector<2048x1xi32>
    %shift_right_logical3A_206 = arith.constant 13 : i32
    %shift_right_logical3A_207 = vector.broadcast %shift_right_logical3A_206 : i32 to vector<2048x1xi32>
    %shift_right_logical3A_208 = arith.shrui %reshape3A_205, %shift_right_logical3A_207 : vector<2048x1xi32>
    %and3A_209 = arith.constant 1 : i32
    %and3A_210 = vector.broadcast %and3A_209 : i32 to vector<2048x1xi32>
    %and3A_211 = arith.andi %shift_right_logical3A_208, %and3A_210 : vector<2048x1xi32>
    %sub3A_212 = arith.constant 1 : i32
    %sub3A_213 = vector.broadcast %sub3A_212 : i32 to vector<2048x1xi32>
    %sub3A_214 = arith.subi %sub3A_213, %and3A_211 : vector<2048x1xi32>
    %mul3A_215 = arith.constant 16 : i32
    %mul3A_216 = vector.broadcast %mul3A_215 : i32 to vector<2048x1xi32>
    %mul3A_217 = arith.muli %sub3A_214, %mul3A_216 : vector<2048x1xi32>
    %shift_left3A_218 = vector.broadcast %mul3A_217 : vector<2048x1xi32> to vector<2048x128xi32>
    %shift_left3A_219 = arith.shli %get3A_200, %shift_left3A_218 : vector<2048x128xi32>
    %and3A_220 = arith.constant -65536 : i32
    %and3A_221 = vector.broadcast %and3A_220 : i32 to vector<2048x128xi32>
    %and3A_222 = arith.andi %shift_left3A_219, %and3A_221 : vector<2048x128xi32>
    %bitcast_convert_type3A_223 = tpu.bitcast %and3A_222 : vector<2048x128xi32> -> vector<2048x128xf32>
    %shift_right_logical3A_224 = arith.constant 14 : i32
    %shift_right_logical3A_225 = vector.broadcast %shift_right_logical3A_224 : i32 to vector<2048x1xi32>
    %shift_right_logical3A_226 = arith.shrui %reshape3A_205, %shift_right_logical3A_225 : vector<2048x1xi32>
    %and3A_227 = arith.constant 1 : i32
    %and3A_228 = vector.broadcast %and3A_227 : i32 to vector<2048x1xi32>
    %and3A_229 = arith.andi %shift_right_logical3A_226, %and3A_228 : vector<2048x1xi32>
    %gt3A_230 = arith.constant 0 : i32
    %gt3A_231 = vector.broadcast %gt3A_230 : i32 to vector<2048x1xi32>
    %gt3A_232 = arith.cmpi sgt, %and3A_229, %gt3A_231 : vector<2048x1xi32>
    %slice3A_233 = vector.extract_strided_slice %bitcast_convert_type3A_223 {offsets = [0, 64], sizes = [2048, 64], strides = [1, 1]} : vector<2048x128xf32> to vector<2048x64xf32>
    %slice3A_234 = vector.extract_strided_slice %bitcast_convert_type3A_223 {offsets = [0, 0], sizes = [2048, 64], strides = [1, 1]} : vector<2048x128xf32> to vector<2048x64xf32>
    %broadcast_in_dim3A_235 = vector.shape_cast %gt3A_232 : vector<2048x1xi1> to vector<2048x1xi1>
    %broadcast_in_dim3A_236 = vector.broadcast %broadcast_in_dim3A_235 : vector<2048x1xi1> to vector<2048x64xi1>
    %select_n3A_237 = arith.select %broadcast_in_dim3A_236, %slice3A_233, %slice3A_234 : vector<2048x64xi1>, vector<2048x64xf32>
    %convert_element_type3A_238 = arith.truncf %select_n3A_237 : vector<2048x64xf32> to vector<2048x64xbf16>
    %get3A_239 = arith.constant 4 : index
    %get3A_240 = arith.constant 0 : index
    %get3A_241 = arith.constant 0 : index
    %get3A_242 = vector.load %arg3[%get3A_239, %get3A_240, %get3A_241] : memref<5x64x64xbf16, #tpu.memory_space<vmem>>, vector<1x64x64xbf16>
    %get3A_243 = vector.shape_cast %get3A_242 : vector<1x64x64xbf16> to vector<64x64xbf16>
    %dot_general3A_244 = arith.constant dense<0.000000e+00> : vector<2048x64xf32>
    %dot_general3A_245 = tpu.matmul %convert_element_type3A_238, %get3A_243, %dot_general3A_244 {dimension_numbers = #tpu.dot_dimension_numbers<[1], [0], [0], [1], [0, 0, 1, 1], [], []>, transpose_lhs_hint = false} : vector<2048x64xbf16>, vector<64x64xbf16>, vector<2048x64xf32> -> vector<2048x64xf32>
    %add3A_246 = arith.addf %add3A_195, %dot_general3A_245 : vector<2048x64xf32>
    %max3A = arith.constant 0.000000e+00 : f32
    %max3A_247 = vector.broadcast %max3A : f32 to vector<2048x64xf32>
    %max3A_248 = arith.maximumf %add3A_246, %max3A_247 : vector<2048x64xf32>
    %get3A_249 = arith.constant 0 : index
    %get3A_250 = arith.constant 0 : index
    %get3A_251 = vector.load %arg5[%get3A_249, %get3A_250] : memref<64x32xf32, #tpu.memory_space<vmem>>, vector<64x32xf32>
    %dot_general3A_252 = arith.constant dense<0.000000e+00> : vector<2048x32xf32>
    %dot_general3A_253 = tpu.matmul %max3A_248, %get3A_251, %dot_general3A_252 {dimension_numbers = #tpu.dot_dimension_numbers<[1], [0], [0], [1], [0, 0, 1, 1], [], []>, transpose_lhs_hint = false} : vector<2048x64xf32>, vector<64x32xf32>, vector<2048x32xf32> -> vector<2048x32xf32>
    %get3A_254 = arith.constant 0 : index
    %get3A_255 = arith.constant 0 : index
    %get3A_256 = vector.load %arg6[%get3A_254, %get3A_255] : memref<1x32xf32, #tpu.memory_space<vmem>>, vector<1x32xf32>
    %add3A_257 = vector.broadcast %get3A_256 : vector<1x32xf32> to vector<2048x32xf32>
    %add3A_258 = arith.addf %dot_general3A_253, %add3A_257 : vector<2048x32xf32>
    %reduce_max3A = arith.constant dense<0xFF800000> : vector<2048xf32>
    %reduce_max3A_259 = vector.multi_reduction <maximumf>, %add3A_258, %reduce_max3A [1] : vector<2048x32xf32> to vector<2048xf32>
    %broadcast_in_dim3A_260 = vector.shape_cast %reduce_max3A_259 : vector<2048xf32> to vector<2048x1xf32>
    %sub3A_261 = vector.broadcast %broadcast_in_dim3A_260 : vector<2048x1xf32> to vector<2048x32xf32>
    %sub3A_262 = arith.subf %add3A_258, %sub3A_261 : vector<2048x32xf32>
    %exp3A = math.exp %sub3A_262 : vector<2048x32xf32>
    %reduce_sum3A = arith.constant dense<0.000000e+00> : vector<2048xf32>
    %reduce_sum3A_263 = vector.multi_reduction <add>, %exp3A, %reduce_sum3A [1] : vector<2048x32xf32> to vector<2048xf32>
    %broadcast_in_dim3A_264 = vector.shape_cast %reduce_sum3A_263 : vector<2048xf32> to vector<2048x1xf32>
    %log3A = math.log %broadcast_in_dim3A_264 : vector<2048x1xf32>
    %sub3A_265 = vector.broadcast %log3A : vector<2048x1xf32> to vector<2048x32xf32>
    %sub3A_266 = arith.subf %sub3A_262, %sub3A_265 : vector<2048x32xf32>
    %swap3A = arith.constant 0 : index
    %swap3A_267 = arith.constant 0 : index
    %swap3A_268 = vector.load %arg7[%swap3A, %swap3A_267] : memref<2048x32xf32, #tpu.memory_space<vmem>>, vector<2048x32xf32>
    tpu.vector_store %arg7[%swap3A, %swap3A_267], %sub3A_266 {strides = array<i32>} : memref<2048x32xf32, #tpu.memory_space<vmem>>, vector<2048x32xf32>,
    return
  }
  func.func @transform_0(%arg0: i32) -> (i32, i32, i32) {
    %c0_i32 = arith.constant 0 : i32
    %c0_i32_0 = arith.constant 0 : i32
    %c0_i32_1 = arith.constant 0 : i32
    return %c0_i32, %arg0, %c0_i32_0 : i32, i32, i32
  }
  func.func @transform_1(%arg0: i32) -> (i32, i32) {
    %c0_i32 = arith.constant 0 : i32
    %c0_i32_0 = arith.constant 0 : i32
    return %arg0, %c0_i32 : i32, i32
  }
  func.func @transform_2(%arg0: i32) -> (i32, i32, i32) {
    %c0_i32 = arith.constant 0 : i32
    %c0_i32_0 = arith.constant 0 : i32
    %c0_i32_1 = arith.constant 0 : i32
    %c0_i32_2 = arith.constant 0 : i32
    return %c0_i32, %c0_i32_0, %c0_i32_1 : i32, i32, i32
  }
  func.func @transform_3(%arg0: i32) -> (i32, i32) {
    %c0_i32 = arith.constant 0 : i32
    %c0_i32_0 = arith.constant 0 : i32
    %c0_i32_1 = arith.constant 0 : i32
    return %c0_i32, %c0_i32_0 : i32, i32
  }
  func.func @transform_4(%arg0: i32) -> (i32, i32) {
    %c0_i32 = arith.constant 0 : i32
    %c0_i32_0 = arith.constant 0 : i32
    %c0_i32_1 = arith.constant 0 : i32
    return %c0_i32, %c0_i32_0 : i32, i32
  }
  func.func @transform_5(%arg0: i32) -> (i32, i32) {
    %c0_i32 = arith.constant 0 : i32
    %c0_i32_0 = arith.constant 0 : i32
    %c0_i32_1 = arith.constant 0 : i32
    return %c0_i32, %c0_i32_0 : i32, i32
  }
  func.func @transform_6(%arg0: i32) -> (i32, i32) {
    %c0_i32 = arith.constant 0 : i32
    %c0_i32_0 = arith.constant 0 : i32
    return %arg0, %c0_i32 : i32, i32
  }
}

</mosaic_0001>

<sc_bundles>
// kernel: kernel.10.cloned.1.call-start
scs
__scs_entry_jumppad:
0x0: {  	(pc) =	sbr.rel $0x88, $3  }
0x1: {  	(tag) =	ssettag $0x0;
	lr =	simm.s32 $0x1  }
0x2: {  	[smem:$0x3F9B] =	sst lr;
	_ =	strace $0xD0000000  }
0x3: {  	_ = 	snop  }
0x4: {  	_ = 	snop  }
0x5: {  	_ = 	snop  }
0x6: {  	_ = 	snop  }
0x7: {  	_ = 	snop  }
__scs_overlays_trampoline_lowered:
0x8: {  	[smem:$0x3FAA] =	sst s0  }
0x9: {  	[smem:$0x3FAB] =	sst s1  }
0xa: {  	[smem:$0x3FAC] =	sst s2  }
0xb: {  	[smem:$0x3FAD] =	sst s3  }
0xc: {  	[smem:$0x3FAE] =	sst s4  }
0xd: {  	[smem:$0x3FAF] =	sst s5  }
0xe: {  	[smem:$0x3FB0] =	sst s6  }
0xf: {  	[smem:$0x3FB1] =	sst s7  }
0x10: {  	[smem:$0x3FB2] =	sst s8  }
0x11: {  	[smem:$0x3FB3] =	sst s9;
	s0 =	simm.s32 @!p0 $0x0  }
0x12: {  	s1 =	sld [smem:$0x3F99];
	s0 =	simm.s32 @p0 $0x1  }
0x13: {  	[smem:$0x3FB4] =	sst s0;
	s0 =	simm.s32 @!p1 $0x0  }
0x14: {  	s2 =	sld [smem:$0x3F98];
	s0 =	simm.s32 @p1 $0x1  }
0x15: {  	[smem:$0x3FB5] =	sst s0;
	s0 =	simm.s32 @!p2 $0x0  }
0x16: {  	s3 =	sld [smem:$0x3FDB];
	s0 =	simm.s32 @p2 $0x1  }
0x17: {  	s4 =	simm.s32 $0x1BF5;
	[smem:$0x3FB7] =	sst s0  }
0x18: {  	s0 =	sld [smem:$0x3F9A];
	_ =	swait.ge [sflag:s4], $0x0  }
0x19: {  	s7 =	sld [smem:$0x3F9B]  }
0x1a: {  	s8 =	sadd.s32 $0xFFFFE003, lr  }
0x1b: {  	s9 =	sadd.s32 $0xFFFFFEF7, lr;
	s5 =	simm.s32 $0xFFFFFFFF;
	p2 =	slt.u32 s8, $0xFFFFF086  }
0x1c: {  	p1 =	slt.u32 s9, $0xF7A;
	s5 =	simm.s32 @!p2 $0x0  }
0x1d: {  	s5 =	simm.s32 @p1 $0x1;
	p0 =	seq.s32 s7, s2  }
0x1e: {  	s7 =	smul.u32 @!p0 $0xF7A, s2;
	p2 =	seq.s32 @!p0 s5, $0x0  }
0x1f: {  	s9 =	smul.u32 $0xF7A, s1;
	s8 =	simm.s32 @!p0 $0x1BF5;
	p2 =	por !p2, p0  }
0x20: {  	[sflag:s8] =	ssyncset.s32 @!p0 $0xFFFFF086;
	s6 =	sadd.s32 @!p0 s3, s7;
	s7 =	simm.s32 @!p0 $0x108  }
0x21: {  	s3 =	sadd.s32 s3, s9;
	s6 =	sadd.s32 @!p0 $0x88, s6;
	s7 =	simm.s32 @p2 $0x1082  }
0x22: {  	[simem:s7], [sflag:s8] =	dma.local @!p0 [hbm:s6], $0xF7A  }
0x23: {  	s9 =	sor.u32 $0xD0000000, s2;
	s6 =	simm.s32 $0x108;
	_ =	swait.ge @!p0 [sflag:s8], $0x0  }
0x24: {  	s3 =	sadd.s32 $0x88, s3;
	s6 =	simm.s32 @!p1 $0x1082;
	[sflag:s4] =	ssyncset.s32 $0xFFFFF086  }
0x25: {  	[simem:s6], [sflag:s4] =	dma.local [hbm:s3], $0xF7A  }
0x26: {  	[smem:$0x3F9B] =	sst s1;
	(tag) =	ssettag s2;
	_ =	strace s9  }
0x27: {  	s1 =	sld [smem:$0x3FAB]  }
0x28: {  	s2 =	sld [smem:$0x3FAC]  }
0x29: {  	s4 =	sld [smem:$0x3FAE]  }
0x2a: {  	p0 =	seq.s32 s5, $0x0;
	s5 =	sld [smem:$0x3FAF]  }
0x2b: {  	s6 =	sld [smem:$0x3FB0]  }
0x2c: {  	s7 =	sld [smem:$0x3FB1]  }
0x2d: {  	s3 =	simm.s32 $0x108;
	s8 =	sld [smem:$0x3FB2]  }
0x2e: {  	s3 =	simm.s32 @!p0 $0x1082;
	s9 =	sld [smem:$0x3FB3]  }
0x2f: {  	lr =	sadd.s32 s0, s3;
	s0 =	sld [smem:$0x3FAA]  }
0x30: {  	s3 =	sld [smem:$0x3FAD]  }
0x31: {  	[smem:$0x3FB6] =	sst s10  }
0x32: {  	s10 =	sld [smem:$0x3FB4];
	_ =	sdelay $0x3  }
0x33: {  	p0 =	seq.s32 s10, $0x1;
	s10 =	sld [smem:$0x3FB6];
	_ =	sdelay $0x3  }
0x34: {  	[smem:$0x3FB6] =	sst s10  }
0x35: {  	s10 =	sld [smem:$0x3FB5];
	_ =	sdelay $0x3  }
0x36: {  	p1 =	seq.s32 s10, $0x1;
	s10 =	sld [smem:$0x3FB6];
	_ =	sdelay $0x3  }
0x37: {  	[smem:$0x3FB6] =	sst s10  }
0x38: {  	s10 =	sld [smem:$0x3FB7]  }
0x39: {  	_ = 	snop;
	(pc) =	sbr.ind lr, $3  }
0x3a: {  	_ = 	snop  }
0x3b: {  	_ = 	snop  }
0x3c: {  	p2 =	seq.s32 s10, $0x1;
	s10 =	sld [smem:$0x3FB6]  }
0x3d: {  	_ =	shalt  }
0x3e: {  	_ =	shalt  }
0x3f: {  	_ =	shalt  }
0x40: {  	_ =	shalt  }
0x41: {  	_ =	shalt  }
0x42: {  	_ =	shalt  }
0x43: {  	_ =	shalt  }
0x44: {  	_ =	shalt  }
0x45: {  	_ =	shalt  }
0x46: {  	_ =	shalt  }
0x47: {  	_ =	shalt  }
0x48: {  	_ =	shalt  }
0x49: {  	_ =	shalt  }
0x4a: {  	_ =	shalt  }
0x4b: {  	_ =	shalt  }
0x4c: {  	_ =	shalt  }
0x4d: {  	_ =	shalt  }
0x4e: {  	_ =	shalt  }
0x4f: {  	_ =	shalt  }
0x50: {  	_ =	shalt  }
0x51: {  	_ =	shalt  }
0x52: {  	_ =	shalt  }
0x53: {  	_ =	shalt  }
0x54: {  	_ =	shalt  }
0x55: {  	_ =	shalt  }
0x56: {  	_ =	shalt  }
0x57: {  	_ =	shalt  }
0x58: {  	_ =	shalt  }
0x59: {  	_ =	shalt  }
0x5a: {  	_ =	shalt  }
0x5b: {  	_ =	shalt  }
0x5c: {  	_ =	shalt  }
0x5d: {  	_ =	shalt  }
0x5e: {  	_ =	shalt  }
0x5f: {  	_ =	shalt  }
0x60: {  	_ =	shalt  }
0x61: {  	_ =	shalt  }
0x62: {  	_ =	shalt  }
0x63: {  	_ =	shalt  }
0x64: {  	_ =	shalt  }
0x65: {  	_ =	shalt  }
0x66: {  	_ =	shalt  }
0x67: {  	_ =	shalt  }
0x68: {  	_ =	shalt  }
0x69: {  	_ =	shalt  }
0x6a: {  	_ =	shalt  }
0x6b: {  	_ =	shalt  }
0x6c: {  	_ =	shalt  }
0x6d: {  	_ =	shalt  }
0x6e: {  	_ =	shalt  }
0x6f: {  	_ =	shalt  }
0x70: {  	_ =	shalt  }
0x71: {  	_ =	shalt  }
0x72: {  	_ =	shalt  }
0x73: {  	_ =	shalt  }
0x74: {  	_ =	shalt  }
0x75: {  	_ =	shalt  }
0x76: {  	_ =	shalt  }
0x77: {  	_ =	shalt  }
0x78: {  	_ =	shalt  }
0x79: {  	_ =	shalt  }
0x7a: {  	_ =	shalt  }
0x7b: {  	_ =	shalt  }
0x7c: {  	_ =	shalt  }
0x7d: {  	_ =	shalt  }
0x7e: {  	_ =	shalt  }
0x7f: {  	_ =	shalt  }
0x80: {  	_ =	shalt  }
0x81: {  	_ =	shalt  }
0x82: {  	_ =	shalt  }
0x83: {  	_ =	shalt  }
0x84: {  	_ =	shalt  }
0x85: {  	_ =	shalt  }
0x86: {  	_ =	shalt  }
0x87: {  	_ =	shalt  }
.Lfunc_end0:
.L_simem_size_0:
called_computation.1_lowered:
.L_overlay_start_0:
0x88: {  	s2 =	sld [smem:$0x3FD9]  }
0x89: {  	s3 =	sld [smem:$0x3FFE];
	_ =	sdelay $0x1  }
0x8a: {  	s1 =	srdreg.scid  }
0x8b: {  	s0 =	sand.u32 $0x1, s1  }
0x8c: {  	s17 =	sshll.u32 s0, $0xA;
	s2 =	sadd.s32 s3, s2  }
0x8d: {  	s2 =	sadd.s32 s2, s17  }
0x8e: {  	[smem:$0x3FC2] =	sst s2  }
0x8f: {  	_ = 	snop  }
0x90: {  	s18 =	sld [smem:$0x3FD0];
	(tm) =	ssettm $0x1  }
0x91: {  	s19 =	sld [smem:$0x3FFB];
	_ =	sdelay $0x3  }
0x92: {  	_ =	strace s19  }
0x93: {  	s2 =	sld [smem:$0x3FFC];
	_ =	sdelay $0x3  }
0x94: {  	_ =	strace s2  }
0x95: {  	s2 =	sld [smem:$0x3FFD];
	_ =	sdelay $0x3  }
0x96: {  	_ =	strace s2  }
0x97: {  	_ =	strace $0x8FFFFFFF  }
0x98: {  	s20 =	sld [smem:$0x3FDB];
	_ =	sdelay $0x1  }
0x99: {  	s4 =	simm.s32 $_scs_section_size  }
0x9a: {  	s5 =	simm.s32 $_size__tile_overlayer_lowered;
	s6 =	simm.s32 $_tile_overlayer_lowered  }
0x9b: {  	s7 =	simm.s32 $0x1BFF;
	s21 =	sshll.u32 s6, $0x1;
	s4 =	sadd.s32 s4, s20  }
0x9c: {  	s22 =	simm.s32 $0x0;
	s5 =	sshll.u32 s5, $0x1;
	s6 =	sadd.s32 s21, s4  }
0x9d: {  	[timem:s22], [sflag:s7] =	dma.local [hbm:s6], s5  }
0x9e: {  	_ =	swait.ge [sflag:s7], s5  }
0x9f: {  	s5 =	ssub.s32 $0x0, s5;
	[sflag:s7] =	ssyncset.done $0x0  }
0xa0: {  	[sflag:s7] =	ssyncadd.s32 s5;
	_ =	sdelay $0x1  }
0xa1: {  	s23 =	simm.s32 $0x1B8B  }
0xa2: {  	_ =	swait.ge [sflag:s23], $0x1  }
0xa3: {  	[sflag:s23] =	ssyncset.done $0x0  }
0xa4: {  	[sflag:s23] =	ssyncadd.s32 $0xFFFFFFFF  }
0xa5: {  	s5 =	sld [smem:$0x0]  }
0xa6: {  	s6 =	sand.u32 $0xFFFFFFFE, s1  }
0xa7: {  	p0 =	sne.s32 s1, s6  }
0xa8: {  	s6 =	sshll.u32 @p0 s6, $0xE  }
0xa9: {  	s6 =	sadd.s32 @p0 $0x11B8D, s6;
	s7 =	sshll.u32 @p0 s5, $0x11  }
0xaa: {  	s6 =	sor.u32 @p0 s7, s6  }
0xab: {  	[sflag:s6] =	ssyncadd.remote.s32 @p0 $0x1;
	_ =	sdelay $0x1  }
0xac: {  	s6 =	simm.s32 @p0 $0x1B8D  }
0xad: {  	_ =	swait.eq @p0 [sflag:s6], $0x1  }
0xae: {  	[sflag:s6] =	ssyncadd.s32 @p0 $0xFFFFFFFF  }
0xaf: {  	s7 =	sshll.u32 @!p0 s1, $0xE  }
0xb0: {  	s7 =	sor.u32 @!p0 $0x4000, s7;
	s6 =	simm.s32 @!p0 $0x1B8D  }
0xb1: {  	s5 =	sshll.u32 @!p0 s5, $0x11;
	s7 =	sadd.s32 @!p0 $0x11B8D, s7;
	_ =	swait.eq @!p0 [sflag:s6], $0x1  }
0xb2: {  	s5 =	sor.u32 @!p0 s5, s7;
	[sflag:s6] =	ssyncadd.s32 @!p0 $0xFFFFFFFF  }
0xb3: {  	s25 =	simm.s32 $0x1B8E;
	s24 =	sld [smem:$0x3FFE];
	[sflag:s5] =	ssyncadd.remote.s32 @!p0 $0x1  }
0xb4: {  	s26 =	simm.s32 $execute0_lowered;
	[smem:$0x3FD2] =	sst s25  }
0xb5: {  	s6 =	sshll.u32 s26, $0x1;
	_ =	strace $0x80000049;
	[dreg:$0x1] =	wrdreg $0xFFFFFFFF  }
0xb6: {  	s28 =	simm.s32 $_size_execute0_lowered;
	s4 =	sadd.s32 s4, s6;
	[dreg:$0x0] =	wrdreg $0x0  }
0xb7: {  	s6 =	sshll.u32 s28, $0x1;
	[dreg:$0x2] =	wrdreg s4  }
0xb8: {  	[dreg:$0x3] =	wrdreg s6  }
0xb9: {  	[dreg:$0x4] =	wrdreg $0xC0  }
0xba: {  	_ =	task [dreg:s22], $0x5FFFF  }
0xbb: {  	[dreg:$0x1] =	wrdreg $0xFFFFFFFF  }
0xbc: {  	[dreg:$0x0] =	wrdreg $0x60  }
0xbd: {  	[dreg:$0x2] =	wrdreg s18  }
0xbe: {  	[dreg:$0x3] =	wrdreg s24  }
0xbf: {  	[dreg:$0x4] =	wrdreg $0xA  }
0xc0: {  	_ =	task.clear_ibuf [dreg:s22], $0x5FFFF;
	_ =	strace $0x90000049  }
0xc1: {  	s29 =	simm.s32 $0xA;
	_ =	strace $0x8000004B  }
0xc2: {  	_ =	swait.ge [sflag:s29], $0x1  }
0xc3: {  	[sflag:s29] =	ssyncadd.s32 $0xFFFFFFFF  }
0xc4: {  	_ =	strace $0x9000004B  }
0xc5: {  	_ =	sfence  }
0xc6: {  	s30 =	sld [smem:$0x0];
	_ =	sdelay $0x2  }
0xc7: {  	s31 =	sshll.u32 s1, $0xD;
	s1 =	sshrl.u32 s1, $0x2  }
0xc8: {  	s4 =	sand.u32 $0x4000, s31;
	s1 =	sadd.s32 s1, s30  }
0xc9: {  	s0 =	sor.u32 s4, s0;
	s1 =	sshll.u32 s1, $0x11  }
0xca: {  	s0 =	sor.u32 s1, s0  }
0xcb: {  	s0 =	sadd.s32 $0x8F2B, s0  }
0xcc: {  	[sflag:s0] =	ssyncadd.remote.s32 $0x1  }
0xcd: {  	_ =	sfence.sel $0xFFFF  }
0xce: {  	[dreg:$0x0] =	wrdreg $0xFFFFFFFF;
	(pc) =	sbr.abs _section_cstart, $3  }
0xcf: {  	[dreg:$0x1] =	wrdreg $0xFFFFFFFF  }
0xd0: {  	_ =	task.clear_ibuf [dreg:s22], $0x2FFFF;
	_ =	strace $0x9FFFFFFF  }
0xd1: {  	(tm) =	ssettm $0x7FFFFFFF  }
tec
execute0_lowered:
.L_overlay_start_1:
0x0: {  	(tag) =	ssettag $0x1  }
0x1: {  	s0 =	srdreg.scid;
	s3 =	rddreg [dreg:$0x0]  }
0x2: {  	s1 =	stileid.u32;
	s4 =	rddreg [dreg:$0x1];
	s2 =	simm.s32 $0x0  }
0x3: {  	s30 =	simm.s32 $0x9;
	s14 =	simm.s32 $0x80;
	s8 =	simm.s32 $0x500  }
0x4: {  	s31 =	simm.s32 $0x100;
	s16 =	simm.s32 $0x8500;
	s13 =	simm.s32 $0x1  }
0x5: {  	s29 =	simm.s32 $0x180;
	s15 =	simm.s32 $0xC500;
	s11 =	simm.s32 $0x2  }
0x6: {  	s9 =	simm.s32 $0x5;
	s0 =	sand.u32 $0x1, s0;
	s1 =	sshll.u32 s1, $0x1  }
0x7: {  	s28 =	simm.s32 $0x200;
	s18 =	simm.s32 $0x3;
	s1 =	sor.u32 s0, s1  }
0x8: {  	s10 =	simm.s32 $0x6;
	[smem:$0x7FF] =	sst s2;
	s5 =	smul.u32 $0xA0, s1  }
0x9: {  	s7 =	sadd.s32 $0x482C00, s4;
	s0 =	ssub.s32 $0x2, s0;
	s6 =	smul.u32 $0x5000, s1  }
0xa: {  	_ =	strace $0x8000004A;
	s1 =	smul.u32 $0x28000, s1;
	s25 =	sshrl.u32 s0, $0x1  }
0xb: {  	s0 =	ssub.s32 s0, s25;
	s3 =	sadd.s32 s3, s5;
	s20 =	sadd.s32 s7, s6  }
0xc: {  	s1 =	sshrl.u32 s1, $0x3;
	s0 =	smax.u32 s0, $0x1;
	[dreg:$0x3] =	wrdreg s3  }
0xd: {  	s21 =	sadd.s32 $0x800, s20;
	s1 =	sadd.s32 s7, s1;
	s3 =	sadd.s32 $0x1800, s4  }
0xe: {  	p1 =	sne.s32 s0, $0x1;
	[dreg:$0x4] =	wrdreg s21;
	s22 =	sadd.s32 $0x1000, s1  }
0xf: {  	s23 =	sadd.s32 $0x1800, s1;
	s24 =	sadd.s32 $0x2000, s1;
	s26 =	sadd.s32 $0x2800, s1  }
0x10: {  	s12 =	sadd.s32 $0x3000, s1;
	s7 =	sadd.s32 $0x3800, s1;
	s5 =	sadd.s32 $0x4000, s1  }
0x11: {  	s4 =	sadd.s32 $0x4800, s1;
	s1 =	sadd.s32 $0xFFFFFFFF, s0;
	s0 =	rddreg [dreg:$0x3]  }
.Ltmp0:
0x12: {  	s17 =	simm.s32 $0x4;
	[dreg:$0x5] =	wrdreg s22;
	(pc) =	sbr.rel @!p1 .LBB2_3-.Ltmp0, $4  }
0x13: {  	p0 =	por $0x0, $0x0;
	s19 =	simm.s32 $0x480;
	[dreg:$0x6] =	wrdreg s23  }
0x14: {  	s25 =	simm.s32 $0x300;
	s6 =	simm.s32 $0x4500;
	[dreg:$0x7] =	wrdreg s24  }
0x15: {  	s21 =	simm.s32 $0x400;
	[dreg:$0x8] =	wrdreg s26;
	s26 =	simm.s32 $0x280  }
0x16: {  	s24 =	simm.s32 $0x7;
	s22 =	simm.s32 $0x8;
	s23 =	simm.s32 $0x380  }
0x17: {  	[tilespmem:s2], [sflag:$0x9] =	stream.linear.gather [hbm4b:s0+s2], $0x500, $0x38;
	[tilespmem:$0x10500] =	vst v63  }
0x18: {  	_ =	swait.ge [sflag:s30], $0x500  }
0x19: {  	[sflag:s30] =	ssyncset.done $0x0  }
0x1a: {  	[sflag:s30] =	ssyncadd.s32 $0xFFFFFB00  }
0x1b: {  	[tilespmem:s8], [sflag:$0x1] =	stream.indirect.gather [hbm4b:s3+s14], $0x80, s2, s14, $0xb8;
	[tilespmem:$0x10500] =	vst v63  }
0x1c: {  	_ = 	snop  }
0x1d: {  	[tilespmem:s6], [sflag:$0x2] =	stream.indirect.gather [hbm4b:s3+s14], $0x80, s14, s14, $0xb8;
	[tilespmem:$0x10500] =	vst v63  }
0x1e: {  	_ = 	snop  }
0x1f: {  	[tilespmem:s16], [sflag:$0x3] =	stream.indirect.gather [hbm4b:s3+s14], $0x80, s31, s14, $0xb8;
	[tilespmem:$0x10500] =	vst v63  }
0x20: {  	_ =	swait.ge [sflag:s13], $0x4000  }
0x21: {  	[sflag:s13] =	ssyncset.done $0x0  }
0x22: {  	[sflag:s13] =	ssyncadd.s32 $0xFFFFC000  }
0x23: {  	[hbm4b:s20+s2] =	stream.linear.scatter [tilespmem:s8], [sflag:$0x5], $0x4000, $0x38;
	[tilespmem:$0x10500] =	vst v63  }
0x24: {  	_ = 	snop  }
0x25: {  	[tilespmem:s15], [sflag:$0x4] =	stream.indirect.gather [hbm4b:s3+s14], $0x80, s29, s14, $0xb8;
	[tilespmem:$0x10500] =	vst v63  }
0x26: {  	_ =	swait.ge [sflag:s11], $0x4000  }
0x27: {  	[sflag:s11] =	ssyncset.done $0x0  }
0x28: {  	s0 =	rddreg [dreg:$0x4];
	[sflag:s11] =	ssyncadd.s32 $0xFFFFC000  }
0x29: {  	[hbm4b:s0+s2] =	stream.linear.scatter [tilespmem:s6], [sflag:$0x6], $0x4000, $0x38;
	[tilespmem:$0x10500] =	vst v63  }
0x2a: {  	_ =	swait.ge [sflag:s9], $0x4000  }
0x2b: {  	[sflag:s9] =	ssyncset.done $0x0  }
0x2c: {  	[sflag:s9] =	ssyncadd.s32 $0xFFFFC000  }
0x2d: {  	[tilespmem:s8], [sflag:$0x1] =	stream.indirect.gather [hbm4b:s3+s14], $0x80, s28, s14, $0xb8;
	[tilespmem:$0x10500] =	vst v63  }
0x2e: {  	_ =	swait.ge [sflag:s18], $0x4000  }
0x2f: {  	[sflag:s18] =	ssyncset.done $0x0  }
0x30: {  	s0 =	rddreg [dreg:$0x5];
	[sflag:s18] =	ssyncadd.s32 $0xFFFFC000  }
0x31: {  	[hbm4b:s0+s2] =	stream.linear.scatter [tilespmem:s16], [sflag:$0x7], $0x4000, $0x38;
	[tilespmem:$0x10500] =	vst v63  }
0x32: {  	_ =	swait.ge [sflag:s10], $0x4000  }
0x33: {  	[sflag:s10] =	ssyncset.done $0x0  }
0x34: {  	[sflag:s10] =	ssyncadd.s32 $0xFFFFC000  }
0x35: {  	[tilespmem:s6], [sflag:$0x2] =	stream.indirect.gather [hbm4b:s3+s14], $0x80, s26, s14, $0xb8;
	[tilespmem:$0x10500] =	vst v63  }
0x36: {  	_ =	swait.ge [sflag:s17], $0x4000  }
0x37: {  	[sflag:s17] =	ssyncset.done $0x0  }
0x38: {  	s0 =	rddreg [dreg:$0x6];
	[sflag:s17] =	ssyncadd.s32 $0xFFFFC000  }
0x39: {  	[hbm4b:s0+s2] =	stream.linear.scatter [tilespmem:s15], [sflag:$0x8], $0x4000, $0x38;
	[tilespmem:$0x10500] =	vst v63  }
0x3a: {  	_ =	swait.ge [sflag:s24], $0x4000  }
0x3b: {  	[sflag:s24] =	ssyncset.done $0x0  }
0x3c: {  	[sflag:s24] =	ssyncadd.s32 $0xFFFFC000  }
0x3d: {  	[tilespmem:s16], [sflag:$0x3] =	stream.indirect.gather [hbm4b:s3+s14], $0x80, s25, s14, $0xb8;
	[tilespmem:$0x10500] =	vst v63  }
0x3e: {  	_ =	swait.ge [sflag:s13], $0x4000  }
0x3f: {  	[sflag:s13] =	ssyncset.done $0x0  }
0x40: {  	s0 =	rddreg [dreg:$0x7];
	[sflag:s13] =	ssyncadd.s32 $0xFFFFC000  }
0x41: {  	[hbm4b:s0+s2] =	stream.linear.scatter [tilespmem:s8], [sflag:$0x5], $0x4000, $0x38;
	[tilespmem:$0x10500] =	vst v63  }
0x42: {  	_ =	swait.ge [sflag:s22], $0x4000  }
0x43: {  	[sflag:s22] =	ssyncset.done $0x0  }
0x44: {  	[sflag:s22] =	ssyncadd.s32 $0xFFFFC000  }
0x45: {  	[tilespmem:s15], [sflag:$0x4] =	stream.indirect.gather [hbm4b:s3+s14], $0x80, s23, s14, $0xb8;
	[tilespmem:$0x10500] =	vst v63  }
0x46: {  	_ =	swait.ge [sflag:s11], $0x4000  }
0x47: {  	[sflag:s11] =	ssyncset.done $0x0  }
0x48: {  	s0 =	rddreg [dreg:$0x8];
	[sflag:s11] =	ssyncadd.s32 $0xFFFFC000  }
0x49: {  	[hbm4b:s0+s2] =	stream.linear.scatter [tilespmem:s6], [sflag:$0x6], $0x4000, $0x38;
	[tilespmem:$0x10500] =	vst v63  }
0x4a: {  	_ =	swait.ge [sflag:s9], $0x4000  }
0x4b: {  	[sflag:s9] =	ssyncset.done $0x0  }
0x4c: {  	[sflag:s9] =	ssyncadd.s32 $0xFFFFC000  }
0x4d: {  	[tilespmem:s8], [sflag:$0x1] =	stream.indirect.gather [hbm4b:s3+s14], $0x80, s21, s14, $0xb8;
	[tilespmem:$0x10500] =	vst v63  }
0x4e: {  	_ =	swait.ge [sflag:s18], $0x4000  }
0x4f: {  	[sflag:s18] =	ssyncset.done $0x0  }
0x50: {  	[sflag:s18] =	ssyncadd.s32 $0xFFFFC000  }
0x51: {  	[hbm4b:s12+s2] =	stream.linear.scatter [tilespmem:s16], [sflag:$0x7], $0x4000, $0x38;
	[tilespmem:$0x10500] =	vst v63  }
0x52: {  	_ =	swait.ge [sflag:s10], $0x4000  }
0x53: {  	[sflag:s10] =	ssyncset.done $0x0  }
0x54: {  	[sflag:s10] =	ssyncadd.s32 $0xFFFFC000  }
0x55: {  	[tilespmem:s6], [sflag:$0x2] =	stream.indirect.gather [hbm4b:s3+s14], $0x80, s19, s14, $0xb8;
	[tilespmem:$0x10500] =	vst v63  }
0x56: {  	_ =	swait.ge [sflag:s17], $0x4000  }
0x57: {  	[sflag:s17] =	ssyncset.done $0x0  }
0x58: {  	[sflag:s17] =	ssyncadd.s32 $0xFFFFC000  }
0x59: {  	[hbm4b:s7+s2] =	stream.linear.scatter [tilespmem:s15], [sflag:$0x8], $0x4000, $0x38;
	[tilespmem:$0x10500] =	vst v63  }
0x5a: {  	_ =	swait.ge [sflag:s13], $0x4000  }
0x5b: {  	[sflag:s13] =	ssyncset.done $0x0  }
0x5c: {  	[sflag:s13] =	ssyncadd.s32 $0xFFFFC000  }
0x5d: {  	[hbm4b:s5+s2] =	stream.linear.scatter [tilespmem:s8], [sflag:$0x5], $0x4000, $0x38;
	[tilespmem:$0x10500] =	vst v63  }
0x5e: {  	_ =	swait.ge [sflag:s11], $0x4000  }
0x5f: {  	[sflag:s11] =	ssyncset.done $0x0  }
0x60: {  	p1 =	sne.s32 s1, $0x1;
	[sflag:s11] =	ssyncadd.s32 $0xFFFFC000  }
0x61: {  	[hbm4b:s4+s2] =	stream.linear.scatter [tilespmem:s6], [sflag:$0x6], $0x4000, $0x38;
	[tilespmem:$0x10500] =	vst v63  }
.Ltmp1:
0x62: {  	_ =	swait.ge [sflag:s9], $0x4000;
	(pc) =	sbr.rel @!p1 .LBB2_3-.Ltmp1, $4  }
0x63: {  	[sflag:s9] =	ssyncset.done $0x0  }
0x64: {  	[sflag:s9] =	ssyncadd.s32 $0xFFFFC000  }
0x65: {  	s1 =	sadd.s32 $0xFFFFFFFF, s1;
	_ =	swait.ge [sflag:s10], $0x4000  }
0x66: {  	p0 =	por $0x1, $0x1;
	s0 =	rddreg [dreg:$0x3];
	[sflag:s10] =	ssyncset.done $0x0  }
.LBB2_2:
0x67: {  	[sflag:s10] =	ssyncadd.s32 $0xFFFFC000  }
0x68: {  	[tilespmem:s2], [sflag:$0x9] =	stream.linear.gather [hbm4b:s0+s2], $0x500, $0x38;
	[tilespmem:$0x10500] =	vst v63  }
0x69: {  	_ =	swait.ge [sflag:s30], $0x500  }
0x6a: {  	[sflag:s30] =	ssyncset.done $0x0  }
0x6b: {  	[sflag:s30] =	ssyncadd.s32 $0xFFFFFB00  }
0x6c: {  	[tilespmem:s8], [sflag:$0x1] =	stream.indirect.gather [hbm4b:s3+s14], $0x80, s2, s14, $0xb8;
	[tilespmem:$0x10500] =	vst v63  }
0x6d: {  	_ = 	snop  }
0x6e: {  	[tilespmem:s6], [sflag:$0x2] =	stream.indirect.gather [hbm4b:s3+s14], $0x80, s14, s14, $0xb8;
	[tilespmem:$0x10500] =	vst v63  }
0x6f: {  	_ = 	snop  }
0x70: {  	[tilespmem:s16], [sflag:$0x3] =	stream.indirect.gather [hbm4b:s3+s14], $0x80, s31, s14, $0xb8;
	[tilespmem:$0x10500] =	vst v63  }
0x71: {  	_ =	swait.ge [sflag:s13], $0x4000  }
0x72: {  	[sflag:s13] =	ssyncset.done $0x0  }
0x73: {  	[sflag:s13] =	ssyncadd.s32 $0xFFFFC000  }
0x74: {  	[hbm4b:s20+s2] =	stream.linear.scatter [tilespmem:s8], [sflag:$0x5], $0x4000, $0x38;
	[tilespmem:$0x10500] =	vst v63  }
0x75: {  	_ = 	snop  }
0x76: {  	[tilespmem:s15], [sflag:$0x4] =	stream.indirect.gather [hbm4b:s3+s14], $0x80, s29, s14, $0xb8;
	[tilespmem:$0x10500] =	vst v63  }
0x77: {  	_ =	swait.ge [sflag:s11], $0x4000  }
0x78: {  	[sflag:s11] =	ssyncset.done $0x0  }
0x79: {  	s0 =	rddreg [dreg:$0x4];
	[sflag:s11] =	ssyncadd.s32 $0xFFFFC000  }
0x7a: {  	[hbm4b:s0+s2] =	stream.linear.scatter [tilespmem:s6], [sflag:$0x6], $0x4000, $0x38;
	[tilespmem:$0x10500] =	vst v63  }
0x7b: {  	_ =	swait.ge [sflag:s9], $0x4000  }
0x7c: {  	[sflag:s9] =	ssyncset.done $0x0  }
0x7d: {  	[sflag:s9] =	ssyncadd.s32 $0xFFFFC000  }
0x7e: {  	[tilespmem:s8], [sflag:$0x1] =	stream.indirect.gather [hbm4b:s3+s14], $0x80, s28, s14, $0xb8;
	[tilespmem:$0x10500] =	vst v63  }
0x7f: {  	_ =	swait.ge [sflag:s18], $0x4000  }
0x80: {  	[sflag:s18] =	ssyncset.done $0x0  }
0x81: {  	s0 =	rddreg [dreg:$0x5];
	[sflag:s18] =	ssyncadd.s32 $0xFFFFC000  }
0x82: {  	[hbm4b:s0+s2] =	stream.linear.scatter [tilespmem:s16], [sflag:$0x7], $0x4000, $0x38;
	[tilespmem:$0x10500] =	vst v63  }
0x83: {  	_ =	swait.ge [sflag:s10], $0x4000  }
0x84: {  	[sflag:s10] =	ssyncset.done $0x0  }
0x85: {  	[sflag:s10] =	ssyncadd.s32 $0xFFFFC000  }
0x86: {  	[tilespmem:s6], [sflag:$0x2] =	stream.indirect.gather [hbm4b:s3+s14], $0x80, s26, s14, $0xb8;
	[tilespmem:$0x10500] =	vst v63  }
0x87: {  	_ =	swait.ge [sflag:s17], $0x4000  }
0x88: {  	[sflag:s17] =	ssyncset.done $0x0  }
0x89: {  	s0 =	rddreg [dreg:$0x6];
	[sflag:s17] =	ssyncadd.s32 $0xFFFFC000  }
0x8a: {  	[hbm4b:s0+s2] =	stream.linear.scatter [tilespmem:s15], [sflag:$0x8], $0x4000, $0x38;
	[tilespmem:$0x10500] =	vst v63  }
0x8b: {  	_ =	swait.ge [sflag:s24], $0x4000  }
0x8c: {  	[sflag:s24] =	ssyncset.done $0x0  }
0x8d: {  	[sflag:s24] =	ssyncadd.s32 $0xFFFFC000  }
0x8e: {  	[tilespmem:s16], [sflag:$0x3] =	stream.indirect.gather [hbm4b:s3+s14], $0x80, s25, s14, $0xb8;
	[tilespmem:$0x10500] =	vst v63  }
0x8f: {  	_ =	swait.ge [sflag:s13], $0x4000  }
0x90: {  	[sflag:s13] =	ssyncset.done $0x0  }
0x91: {  	s0 =	rddreg [dreg:$0x7];
	[sflag:s13] =	ssyncadd.s32 $0xFFFFC000  }
0x92: {  	[hbm4b:s0+s2] =	stream.linear.scatter [tilespmem:s8], [sflag:$0x5], $0x4000, $0x38;
	[tilespmem:$0x10500] =	vst v63  }
0x93: {  	_ =	swait.ge [sflag:s22], $0x4000  }
0x94: {  	[sflag:s22] =	ssyncset.done $0x0  }
0x95: {  	[sflag:s22] =	ssyncadd.s32 $0xFFFFC000  }
0x96: {  	[tilespmem:s15], [sflag:$0x4] =	stream.indirect.gather [hbm4b:s3+s14], $0x80, s23, s14, $0xb8;
	[tilespmem:$0x10500] =	vst v63  }
0x97: {  	_ =	swait.ge [sflag:s11], $0x4000  }
0x98: {  	[sflag:s11] =	ssyncset.done $0x0  }
0x99: {  	s0 =	rddreg [dreg:$0x8];
	[sflag:s11] =	ssyncadd.s32 $0xFFFFC000  }
0x9a: {  	[hbm4b:s0+s2] =	stream.linear.scatter [tilespmem:s6], [sflag:$0x6], $0x4000, $0x38;
	[tilespmem:$0x10500] =	vst v63  }
0x9b: {  	_ =	swait.ge [sflag:s9], $0x4000  }
0x9c: {  	[sflag:s9] =	ssyncset.done $0x0  }
0x9d: {  	[sflag:s9] =	ssyncadd.s32 $0xFFFFC000  }
0x9e: {  	[tilespmem:s8], [sflag:$0x1] =	stream.indirect.gather [hbm4b:s3+s14], $0x80, s21, s14, $0xb8;
	[tilespmem:$0x10500] =	vst v63  }
0x9f: {  	_ =	swait.ge [sflag:s18], $0x4000  }
0xa0: {  	[sflag:s18] =	ssyncset.done $0x0  }
0xa1: {  	[sflag:s18] =	ssyncadd.s32 $0xFFFFC000  }
0xa2: {  	[hbm4b:s12+s2] =	stream.linear.scatter [tilespmem:s16], [sflag:$0x7], $0x4000, $0x38;
	[tilespmem:$0x10500] =	vst v63  }
0xa3: {  	_ =	swait.ge [sflag:s10], $0x4000  }
0xa4: {  	[sflag:s10] =	ssyncset.done $0x0  }
0xa5: {  	[sflag:s10] =	ssyncadd.s32 $0xFFFFC000  }
0xa6: {  	[tilespmem:s6], [sflag:$0x2] =	stream.indirect.gather [hbm4b:s3+s14], $0x80, s19, s14, $0xb8;
	[tilespmem:$0x10500] =	vst v63  }
0xa7: {  	_ =	swait.ge [sflag:s17], $0x4000  }
0xa8: {  	[sflag:s17] =	ssyncset.done $0x0  }
0xa9: {  	[sflag:s17] =	ssyncadd.s32 $0xFFFFC000  }
0xaa: {  	[hbm4b:s7+s2] =	stream.linear.scatter [tilespmem:s15], [sflag:$0x8], $0x4000, $0x38;
	[tilespmem:$0x10500] =	vst v63  }
0xab: {  	_ =	swait.ge [sflag:s13], $0x4000  }
0xac: {  	[sflag:s13] =	ssyncset.done $0x0  }
0xad: {  	[sflag:s13] =	ssyncadd.s32 $0xFFFFC000  }
0xae: {  	[hbm4b:s5+s2] =	stream.linear.scatter [tilespmem:s8], [sflag:$0x5], $0x4000, $0x38;
	[tilespmem:$0x10500] =	vst v63  }
0xaf: {  	_ =	swait.ge [sflag:s11], $0x4000  }
0xb0: {  	[sflag:s11] =	ssyncset.done $0x0  }
0xb1: {  	p1 =	sne.s32 s1, $0x1;
	[sflag:s11] =	ssyncadd.s32 $0xFFFFC000  }
0xb2: {  	[hbm4b:s4+s2] =	stream.linear.scatter [tilespmem:s6], [sflag:$0x6], $0x4000, $0x38;
	[tilespmem:$0x10500] =	vst v63  }
.Ltmp2:
0xb3: {  	_ =	swait.ge [sflag:s9], $0x4000;
	(pc) =	sbr.rel @p1 .LBB2_2-.Ltmp2, $4  }
0xb4: {  	[sflag:s9] =	ssyncset.done $0x0  }
0xb5: {  	[sflag:s9] =	ssyncadd.s32 $0xFFFFC000  }
0xb6: {  	_ =	swait.ge [sflag:s10], $0x4000  }
0xb7: {  	s1 =	sadd.s32 $0xFFFFFFFF, s1;
	s0 =	rddreg [dreg:$0x3];
	[sflag:s10] =	ssyncset.done $0x0  }
.LBB2_3:
0xb8: {  	[sflag:s10] =	ssyncadd.s32 @p0 $0xFFFFC000  }
0xb9: {  	[tilespmem:s2], [sflag:$0x9] =	stream.linear.gather [hbm4b:s0+s2], $0x500, $0x38;
	[tilespmem:$0x10500] =	vst v63  }
0xba: {  	_ =	swait.ge [sflag:s30], $0x500  }
0xbb: {  	[sflag:s30] =	ssyncset.done $0x0  }
0xbc: {  	[sflag:s30] =	ssyncadd.s32 $0xFFFFFB00  }
0xbd: {  	[tilespmem:s8], [sflag:$0x1] =	stream.indirect.gather [hbm4b:s3+s14], $0x80, s2, s14, $0xb8;
	[tilespmem:$0x10500] =	vst v63  }
0xbe: {  	_ = 	snop  }
0xbf: {  	[tilespmem:s6], [sflag:$0x2] =	stream.indirect.gather [hbm4b:s3+s14], $0x80, s14, s14, $0xb8;
	[tilespmem:$0x10500] =	vst v63  }
0xc0: {  	_ = 	snop  }
0xc1: {  	[tilespmem:s16], [sflag:$0x3] =	stream.indirect.gather [hbm4b:s3+s14], $0x80, s31, s14, $0xb8;
	[tilespmem:$0x10500] =	vst v63  }
0xc2: {  	_ =	swait.ge [sflag:s13], $0x4000  }
0xc3: {  	[sflag:s13] =	ssyncset.done $0x0  }
0xc4: {  	[sflag:s13] =	ssyncadd.s32 $0xFFFFC000  }
0xc5: {  	[hbm4b:s20+s2] =	stream.linear.scatter [tilespmem:s8], [sflag:$0x5], $0x4000, $0x38;
	[tilespmem:$0x10500] =	vst v63  }
0xc6: {  	_ = 	snop  }
0xc7: {  	[tilespmem:s15], [sflag:$0x4] =	stream.indirect.gather [hbm4b:s3+s14], $0x80, s29, s14, $0xb8;
	[tilespmem:$0x10500] =	vst v63  }
0xc8: {  	_ =	swait.ge [sflag:s11], $0x4000  }
0xc9: {  	[sflag:s11] =	ssyncset.done $0x0  }
0xca: {  	s1 =	rddreg [dreg:$0x4];
	[sflag:s11] =	ssyncadd.s32 $0xFFFFC000  }
0xcb: {  	[hbm4b:s1+s2] =	stream.linear.scatter [tilespmem:s6], [sflag:$0x6], $0x4000, $0x38;
	[tilespmem:$0x10500] =	vst v63  }
0xcc: {  	_ =	swait.ge [sflag:s9], $0x4000  }
0xcd: {  	[sflag:s9] =	ssyncset.done $0x0  }
0xce: {  	[sflag:s9] =	ssyncadd.s32 $0xFFFFC000  }
0xcf: {  	[tilespmem:s8], [sflag:$0x1] =	stream.indirect.gather [hbm4b:s3+s14], $0x80, s28, s14, $0xb8;
	[tilespmem:$0x10500] =	vst v63  }
0xd0: {  	_ =	swait.ge [sflag:s18], $0x4000  }
0xd1: {  	[sflag:s18] =	ssyncset.done $0x0  }
0xd2: {  	s20 =	rddreg [dreg:$0x5];
	[sflag:s18] =	ssyncadd.s32 $0xFFFFC000  }
0xd3: {  	[hbm4b:s20+s2] =	stream.linear.scatter [tilespmem:s16], [sflag:$0x7], $0x4000, $0x38;
	[tilespmem:$0x10500] =	vst v63  }
0xd4: {  	_ =	swait.ge [sflag:s10], $0x4000  }
0xd5: {  	[sflag:s10] =	ssyncset.done $0x0  }
0xd6: {  	[sflag:s10] =	ssyncadd.s32 $0xFFFFC000  }
0xd7: {  	[tilespmem:s6], [sflag:$0x2] =	stream.indirect.gather [hbm4b:s3+s14], $0x80, s26, s14, $0xb8;
	[tilespmem:$0x10500] =	vst v63  }
0xd8: {  	_ =	swait.ge [sflag:s17], $0x4000  }
0xd9: {  	[sflag:s17] =	ssyncset.done $0x0  }
0xda: {  	s28 =	rddreg [dreg:$0x6];
	[sflag:s17] =	ssyncadd.s32 $0xFFFFC000  }
0xdb: {  	[hbm4b:s28+s2] =	stream.linear.scatter [tilespmem:s15], [sflag:$0x8], $0x4000, $0x38;
	[tilespmem:$0x10500] =	vst v63  }
0xdc: {  	_ =	swait.ge [sflag:s24], $0x4000  }
0xdd: {  	[sflag:s24] =	ssyncset.done $0x0  }
0xde: {  	[sflag:s24] =	ssyncadd.s32 $0xFFFFC000  }
0xdf: {  	[tilespmem:s16], [sflag:$0x3] =	stream.indirect.gather [hbm4b:s3+s14], $0x80, s25, s14, $0xb8;
	[tilespmem:$0x10500] =	vst v63  }
0xe0: {  	_ =	swait.ge [sflag:s13], $0x4000  }
0xe1: {  	[sflag:s13] =	ssyncset.done $0x0  }
0xe2: {  	s29 =	rddreg [dreg:$0x7];
	[sflag:s13] =	ssyncadd.s32 $0xFFFFC000  }
0xe3: {  	[hbm4b:s29+s2] =	stream.linear.scatter [tilespmem:s8], [sflag:$0x5], $0x4000, $0x38;
	[tilespmem:$0x10500] =	vst v63  }
0xe4: {  	_ =	swait.ge [sflag:s22], $0x4000  }
0xe5: {  	[sflag:s22] =	ssyncset.done $0x0  }
0xe6: {  	[sflag:s22] =	ssyncadd.s32 $0xFFFFC000  }
0xe7: {  	[tilespmem:s15], [sflag:$0x4] =	stream.indirect.gather [hbm4b:s3+s14], $0x80, s23, s14, $0xb8;
	[tilespmem:$0x10500] =	vst v63  }
0xe8: {  	_ =	swait.ge [sflag:s11], $0x4000  }
0xe9: {  	[sflag:s11] =	ssyncset.done $0x0  }
0xea: {  	s30 =	rddreg [dreg:$0x8];
	[sflag:s11] =	ssyncadd.s32 $0xFFFFC000  }
0xeb: {  	[hbm4b:s30+s2] =	stream.linear.scatter [tilespmem:s6], [sflag:$0x6], $0x4000, $0x38;
	[tilespmem:$0x10500] =	vst v63  }
0xec: {  	_ =	swait.ge [sflag:s9], $0x4000  }
0xed: {  	[sflag:s9] =	ssyncset.done $0x0  }
0xee: {  	[sflag:s9] =	ssyncadd.s32 $0xFFFFC000  }
0xef: {  	[tilespmem:s8], [sflag:$0x1] =	stream.indirect.gather [hbm4b:s3+s14], $0x80, s21, s14, $0xb8;
	[tilespmem:$0x10500] =	vst v63  }
0xf0: {  	_ =	swait.ge [sflag:s18], $0x4000  }
0xf1: {  	[sflag:s18] =	ssyncset.done $0x0  }
0xf2: {  	[sflag:s18] =	ssyncadd.s32 $0xFFFFC000  }
0xf3: {  	[hbm4b:s12+s2] =	stream.linear.scatter [tilespmem:s16], [sflag:$0x7], $0x4000, $0x38;
	[tilespmem:$0x10500] =	vst v63  }
0xf4: {  	_ =	swait.ge [sflag:s10], $0x4000  }
0xf5: {  	[sflag:s10] =	ssyncset.done $0x0  }
0xf6: {  	[sflag:s10] =	ssyncadd.s32 $0xFFFFC000  }
0xf7: {  	[tilespmem:s6], [sflag:$0x2] =	stream.indirect.gather [hbm4b:s3+s14], $0x80, s19, s14, $0xb8;
	[tilespmem:$0x10500] =	vst v63  }
0xf8: {  	_ =	swait.ge [sflag:s17], $0x4000  }
0xf9: {  	[sflag:s17] =	ssyncset.done $0x0  }
0xfa: {  	[sflag:s17] =	ssyncadd.s32 $0xFFFFC000  }
0xfb: {  	[hbm4b:s7+s2] =	stream.linear.scatter [tilespmem:s15], [sflag:$0x8], $0x4000, $0x38;
	[tilespmem:$0x10500] =	vst v63  }
0xfc: {  	_ =	swait.ge [sflag:s13], $0x4000  }
0xfd: {  	[sflag:s13] =	ssyncset.done $0x0  }
0xfe: {  	[sflag:s13] =	ssyncadd.s32 $0xFFFFC000  }
0xff: {  	[hbm4b:s5+s2] =	stream.linear.scatter [tilespmem:s8], [sflag:$0x5], $0x4000, $0x38;
	[tilespmem:$0x10500] =	vst v63  }
0x100: {  	_ =	swait.ge [sflag:s11], $0x4000  }
0x101: {  	[sflag:s11] =	ssyncset.done $0x0  }
0x102: {  	[sflag:s11] =	ssyncadd.s32 $0xFFFFC000  }
0x103: {  	[hbm4b:s4+s2] =	stream.linear.scatter [tilespmem:s6], [sflag:$0x6], $0x4000, $0x38;
	[tilespmem:$0x10500] =	vst v63  }
0x104: {  	_ =	swait.ge [sflag:s9], $0x4000  }
0x105: {  	[sflag:s9] =	ssyncset.done $0x0  }
0x106: {  	[sflag:s9] =	ssyncadd.s32 $0xFFFFC000  }
0x107: {  	_ =	swait.ge [sflag:s10], $0x4000  }
0x108: {  	[sflag:s10] =	ssyncset.done $0x0  }
0x109: {  	[sflag:s10] =	ssyncadd.s32 $0xFFFFC000  }
0x10a: {  	_ =	sfence.sel $0x180000  }
0x10b: {  	[bflag:$0x0] =	sbarrier.arrive $0xFFFF  }
0x10c: {  	_ =	strace $0x9000004A  }
0x10d: {  	s31 =	stileid.u32;
	[bflag:$0x2] =	sbarrier.arrive $0xFFFF  }
0x10e: {  	p0 =	sne.s32 s31, $0x0;
	s0 =	rddreg [dreg:$0x2]  }
0x10f: {  	s0 =	sadd.s32 @!p0 $0x100000, s0  }
0x110: {  	[sflag:s0] =	ssyncadd.tile.s32 @!p0 $0x1;
	_ =	shalt  }
.Lfunc_end2:
_tile_overlayer_lowered:
.L_overlay_start_2:
0x111: {  	(tag) =	ssettag $0x2  }
0x112: {  	s0 =	rddreg [dreg:$0x0];
	s2 =	stileid.u32  }
0x113: {  	s1 =	rddreg [dreg:$0x1];
	p0 =	sne.s32 s2, $0x0  }
0x114: {  	s3 =	rddreg [dreg:$0x2];
	[bflag:$0x3] =	sbarrier.arrive $0xFFFF;
	s2 =	simm.s32 @!p0 $0x1C09  }
0x115: {  	[timem:s3], [sflag:s2] =	dma.local @!p0 [hbm:s0], s1  }
0x116: {  	s0 =	simm.s32 @!p0 $0x9  }
0x117: {  	_ =	swait.ge @!p0 [sflag:s0], s1  }
0x118: {  	s1 =	ssub.s32 @!p0 $0x0, s1;
	[sflag:s0] =	ssyncset.done @!p0 $0x0  }
0x119: {  	[sflag:s0] =	ssyncadd.s32 @!p0 s1  }
0x11a: {  	[bflag:$0x3] =	sbarrier.arrive $0xFFFF  }
0x11b: {  	_ =	shalt  }

// kernel: kernel.7.cloned.1.call-start
scs
__scs_entry_jumppad:
0x0: {  	(pc) =	sbr.rel $0x88, $3  }
0x1: {  	(tag) =	ssettag $0x0;
	lr =	simm.s32 $0x1  }
0x2: {  	[smem:$0x3F9B] =	sst lr;
	_ =	strace $0xD0000000  }
0x3: {  	_ = 	snop  }
0x4: {  	_ = 	snop  }
0x5: {  	_ = 	snop  }
0x6: {  	_ = 	snop  }
0x7: {  	_ = 	snop  }
__scs_overlays_trampoline_lowered:
0x8: {  	[smem:$0x3FAA] =	sst s0  }
0x9: {  	[smem:$0x3FAB] =	sst s1  }
0xa: {  	[smem:$0x3FAC] =	sst s2  }
0xb: {  	[smem:$0x3FAD] =	sst s3  }
0xc: {  	[smem:$0x3FAE] =	sst s4  }
0xd: {  	[smem:$0x3FAF] =	sst s5  }
0xe: {  	[smem:$0x3FB0] =	sst s6  }
0xf: {  	[smem:$0x3FB1] =	sst s7  }
0x10: {  	[smem:$0x3FB2] =	sst s8  }
0x11: {  	[smem:$0x3FB3] =	sst s9;
	s0 =	simm.s32 @!p0 $0x0  }
0x12: {  	s1 =	sld [smem:$0x3F99];
	s0 =	simm.s32 @p0 $0x1  }
0x13: {  	[smem:$0x3FB4] =	sst s0;
	s0 =	simm.s32 @!p1 $0x0  }
0x14: {  	s2 =	sld [smem:$0x3F98];
	s0 =	simm.s32 @p1 $0x1  }
0x15: {  	[smem:$0x3FB5] =	sst s0;
	s0 =	simm.s32 @!p2 $0x0  }
0x16: {  	s3 =	sld [smem:$0x3FDB];
	s0 =	simm.s32 @p2 $0x1  }
0x17: {  	s4 =	simm.s32 $0x1BF5;
	[smem:$0x3FB7] =	sst s0  }
0x18: {  	s0 =	sld [smem:$0x3F9A];
	_ =	swait.ge [sflag:s4], $0x0  }
0x19: {  	s7 =	sld [smem:$0x3F9B]  }
0x1a: {  	s8 =	sadd.s32 $0xFFFFE003, lr  }
0x1b: {  	s9 =	sadd.s32 $0xFFFFFEF7, lr;
	s5 =	simm.s32 $0xFFFFFFFF;
	p2 =	slt.u32 s8, $0xFFFFF086  }
0x1c: {  	p1 =	slt.u32 s9, $0xF7A;
	s5 =	simm.s32 @!p2 $0x0  }
0x1d: {  	s5 =	simm.s32 @p1 $0x1;
	p0 =	seq.s32 s7, s2  }
0x1e: {  	s7 =	smul.u32 @!p0 $0xF7A, s2;
	p2 =	seq.s32 @!p0 s5, $0x0  }
0x1f: {  	s9 =	smul.u32 $0xF7A, s1;
	s8 =	simm.s32 @!p0 $0x1BF5;
	p2 =	por !p2, p0  }
0x20: {  	[sflag:s8] =	ssyncset.s32 @!p0 $0xFFFFF086;
	s6 =	sadd.s32 @!p0 s3, s7;
	s7 =	simm.s32 @!p0 $0x108  }
0x21: {  	s3 =	sadd.s32 s3, s9;
	s6 =	sadd.s32 @!p0 $0x88, s6;
	s7 =	simm.s32 @p2 $0x1082  }
0x22: {  	[simem:s7], [sflag:s8] =	dma.local @!p0 [hbm:s6], $0xF7A  }
0x23: {  	s9 =	sor.u32 $0xD0000000, s2;
	s6 =	simm.s32 $0x108;
	_ =	swait.ge @!p0 [sflag:s8], $0x0  }
0x24: {  	s3 =	sadd.s32 $0x88, s3;
	s6 =	simm.s32 @!p1 $0x1082;
	[sflag:s4] =	ssyncset.s32 $0xFFFFF086  }
0x25: {  	[simem:s6], [sflag:s4] =	dma.local [hbm:s3], $0xF7A  }
0x26: {  	[smem:$0x3F9B] =	sst s1;
	(tag) =	ssettag s2;
	_ =	strace s9  }
0x27: {  	s1 =	sld [smem:$0x3FAB]  }
0x28: {  	s2 =	sld [smem:$0x3FAC]  }
0x29: {  	s4 =	sld [smem:$0x3FAE]  }
0x2a: {  	p0 =	seq.s32 s5, $0x0;
	s5 =	sld [smem:$0x3FAF]  }
0x2b: {  	s6 =	sld [smem:$0x3FB0]  }
0x2c: {  	s7 =	sld [smem:$0x3FB1]  }
0x2d: {  	s3 =	simm.s32 $0x108;
	s8 =	sld [smem:$0x3FB2]  }
0x2e: {  	s3 =	simm.s32 @!p0 $0x1082;
	s9 =	sld [smem:$0x3FB3]  }
0x2f: {  	lr =	sadd.s32 s0, s3;
	s0 =	sld [smem:$0x3FAA]  }
0x30: {  	s3 =	sld [smem:$0x3FAD]  }
0x31: {  	[smem:$0x3FB6] =	sst s10  }
0x32: {  	s10 =	sld [smem:$0x3FB4];
	_ =	sdelay $0x3  }
0x33: {  	p0 =	seq.s32 s10, $0x1;
	s10 =	sld [smem:$0x3FB6];
	_ =	sdelay $0x3  }
0x34: {  	[smem:$0x3FB6] =	sst s10  }
0x35: {  	s10 =	sld [smem:$0x3FB5];
	_ =	sdelay $0x3  }
0x36: {  	p1 =	seq.s32 s10, $0x1;
	s10 =	sld [smem:$0x3FB6];
	_ =	sdelay $0x3  }
0x37: {  	[smem:$0x3FB6] =	sst s10  }
0x38: {  	s10 =	sld [smem:$0x3FB7]  }
0x39: {  	_ = 	snop;
	(pc) =	sbr.ind lr, $3  }
0x3a: {  	_ = 	snop  }
0x3b: {  	_ = 	snop  }
0x3c: {  	p2 =	seq.s32 s10, $0x1;
	s10 =	sld [smem:$0x3FB6]  }
0x3d: {  	_ =	shalt  }
0x3e: {  	_ =	shalt  }
0x3f: {  	_ =	shalt  }
0x40: {  	_ =	shalt  }
0x41: {  	_ =	shalt  }
0x42: {  	_ =	shalt  }
0x43: {  	_ =	shalt  }
0x44: {  	_ =	shalt  }
0x45: {  	_ =	shalt  }
0x46: {  	_ =	shalt  }
0x47: {  	_ =	shalt  }
0x48: {  	_ =	shalt  }
0x49: {  	_ =	shalt  }
0x4a: {  	_ =	shalt  }
0x4b: {  	_ =	shalt  }
0x4c: {  	_ =	shalt  }
0x4d: {  	_ =	shalt  }
0x4e: {  	_ =	shalt  }
0x4f: {  	_ =	shalt  }
0x50: {  	_ =	shalt  }
0x51: {  	_ =	shalt  }
0x52: {  	_ =	shalt  }
0x53: {  	_ =	shalt  }
0x54: {  	_ =	shalt  }
0x55: {  	_ =	shalt  }
0x56: {  	_ =	shalt  }
0x57: {  	_ =	shalt  }
0x58: {  	_ =	shalt  }
0x59: {  	_ =	shalt  }
0x5a: {  	_ =	shalt  }
0x5b: {  	_ =	shalt  }
0x5c: {  	_ =	shalt  }
0x5d: {  	_ =	shalt  }
0x5e: {  	_ =	shalt  }
0x5f: {  	_ =	shalt  }
0x60: {  	_ =	shalt  }
0x61: {  	_ =	shalt  }
0x62: {  	_ =	shalt  }
0x63: {  	_ =	shalt  }
0x64: {  	_ =	shalt  }
0x65: {  	_ =	shalt  }
0x66: {  	_ =	shalt  }
0x67: {  	_ =	shalt  }
0x68: {  	_ =	shalt  }
0x69: {  	_ =	shalt  }
0x6a: {  	_ =	shalt  }
0x6b: {  	_ =	shalt  }
0x6c: {  	_ =	shalt  }
0x6d: {  	_ =	shalt  }
0x6e: {  	_ =	shalt  }
0x6f: {  	_ =	shalt  }
0x70: {  	_ =	shalt  }
0x71: {  	_ =	shalt  }
0x72: {  	_ =	shalt  }
0x73: {  	_ =	shalt  }
0x74: {  	_ =	shalt  }
0x75: {  	_ =	shalt  }
0x76: {  	_ =	shalt  }
0x77: {  	_ =	shalt  }
0x78: {  	_ =	shalt  }
0x79: {  	_ =	shalt  }
0x7a: {  	_ =	shalt  }
0x7b: {  	_ =	shalt  }
0x7c: {  	_ =	shalt  }
0x7d: {  	_ =	shalt  }
0x7e: {  	_ =	shalt  }
0x7f: {  	_ =	shalt  }
0x80: {  	_ =	shalt  }
0x81: {  	_ =	shalt  }
0x82: {  	_ =	shalt  }
0x83: {  	_ =	shalt  }
0x84: {  	_ =	shalt  }
0x85: {  	_ =	shalt  }
0x86: {  	_ =	shalt  }
0x87: {  	_ =	shalt  }
.Lfunc_end0:
.L_simem_size_0:
called_computation_lowered:
.L_overlay_start_0:
0x88: {  	s2 =	sld [smem:$0x3FD9]  }
0x89: {  	s3 =	sld [smem:$0x3FFE];
	_ =	sdelay $0x1  }
0x8a: {  	s1 =	srdreg.scid  }
0x8b: {  	s0 =	sand.u32 $0x1, s1  }
0x8c: {  	s16 =	sshll.u32 s0, $0xA;
	s2 =	sadd.s32 s3, s2  }
0x8d: {  	s2 =	sadd.s32 s2, s16  }
0x8e: {  	[smem:$0x3FC2] =	sst s2  }
0x8f: {  	_ = 	snop  }
0x90: {  	(tm) =	ssettm $0x1  }
0x91: {  	s17 =	sld [smem:$0x3FFB];
	_ =	sdelay $0x3  }
0x92: {  	_ =	strace s17  }
0x93: {  	s2 =	sld [smem:$0x3FFC];
	_ =	sdelay $0x3  }
0x94: {  	_ =	strace s2  }
0x95: {  	s2 =	sld [smem:$0x3FFD];
	_ =	sdelay $0x3  }
0x96: {  	_ =	strace s2  }
0x97: {  	_ =	strace $0x8FFFFFFF  }
0x98: {  	s18 =	sld [smem:$0x3FDB];
	_ =	sdelay $0x1  }
0x99: {  	s19 =	simm.s32 $_scs_section_size  }
0x9a: {  	s4 =	simm.s32 $_size__tile_overlayer_lowered;
	s5 =	simm.s32 $_tile_overlayer_lowered  }
0x9b: {  	s22 =	simm.s32 $0x1BFF;
	s21 =	sshll.u32 s5, $0x1;
	s2 =	sadd.s32 s19, s18  }
0x9c: {  	s6 =	simm.s32 $0x0;
	s20 =	sshll.u32 s4, $0x1;
	s4 =	sadd.s32 s21, s2  }
0x9d: {  	[timem:s6], [sflag:s22] =	dma.local [hbm:s4], s20  }
0x9e: {  	_ =	swait.ge [sflag:s22], s20  }
0x9f: {  	s3 =	ssub.s32 $0x0, s20;
	[sflag:s22] =	ssyncset.done $0x0  }
0xa0: {  	[sflag:s22] =	ssyncadd.s32 s3;
	_ =	sdelay $0x1  }
0xa1: {  	s23 =	simm.s32 $0x1B8B  }
0xa2: {  	_ =	swait.ge [sflag:s23], $0x1  }
0xa3: {  	[sflag:s23] =	ssyncset.done $0x0  }
0xa4: {  	s25 =	simm.s32 $0x1B8E;
	s24 =	sld [smem:$0x3FFE];
	[sflag:s23] =	ssyncadd.s32 $0xFFFFFFFF  }
0xa5: {  	s26 =	simm.s32 $execute0_lowered;
	[smem:$0x3FD2] =	sst s25  }
0xa6: {  	s4 =	sshll.u32 s26, $0x1;
	_ =	strace $0x80000046;
	[dreg:$0x1] =	wrdreg $0xFFFFFFFF  }
0xa7: {  	s28 =	simm.s32 $_size_execute0_lowered;
	s2 =	sadd.s32 s2, s4;
	[dreg:$0x0] =	wrdreg $0x0  }
0xa8: {  	s4 =	sshll.u32 s28, $0x1;
	[dreg:$0x2] =	wrdreg s2  }
0xa9: {  	[dreg:$0x3] =	wrdreg s4  }
0xaa: {  	[dreg:$0x4] =	wrdreg $0xC0  }
0xab: {  	_ =	task [dreg:s6], $0x5FFFF  }
0xac: {  	[dreg:$0x1] =	wrdreg $0xFFFFFFFF  }
0xad: {  	[dreg:$0x0] =	wrdreg $0x60  }
0xae: {  	[dreg:$0x2] =	wrdreg s24  }
0xaf: {  	[dreg:$0x3] =	wrdreg $0x9  }
0xb0: {  	_ =	task.clear_ibuf [dreg:s6], $0x4FFFF;
	_ =	strace $0x90000046  }
0xb1: {  	s29 =	simm.s32 $0x9;
	_ =	strace $0x80000048  }
0xb2: {  	_ =	swait.ge [sflag:s29], $0x1  }
0xb3: {  	[sflag:s29] =	ssyncadd.s32 $0xFFFFFFFF  }
0xb4: {  	_ =	strace $0x90000048  }
0xb5: {  	_ =	sfence  }
0xb6: {  	s30 =	sld [smem:$0x0];
	_ =	sdelay $0x2  }
0xb7: {  	s31 =	sshll.u32 s1, $0xD;
	s1 =	sshrl.u32 s1, $0x2  }
0xb8: {  	s3 =	sand.u32 $0x4000, s31;
	s1 =	sadd.s32 s1, s30  }
0xb9: {  	s0 =	sor.u32 s3, s0;
	s1 =	sshll.u32 s1, $0x11  }
0xba: {  	s0 =	sor.u32 s1, s0  }
0xbb: {  	s0 =	sadd.s32 $0x8F2B, s0  }
0xbc: {  	[sflag:s0] =	ssyncadd.remote.s32 $0x1  }
0xbd: {  	_ =	sfence.sel $0xFFFF  }
0xbe: {  	[dreg:$0x0] =	wrdreg $0xFFFFFFFF;
	(pc) =	sbr.abs _section_cstart, $3  }
0xbf: {  	[dreg:$0x1] =	wrdreg $0xFFFFFFFF  }
0xc0: {  	_ =	task.clear_ibuf [dreg:s6], $0x2FFFF;
	_ =	strace $0x9FFFFFFF  }
0xc1: {  	(tm) =	ssettm $0x7FFFFFFF  }
tec
execute0_lowered:
.L_overlay_start_1:
0x0: {  	(tag) =	ssettag $0x1  }
0x1: {  	s0 =	srdreg.scid;
	s1 =	stileid.u32  }
0x2: {  	s3 =	rddreg [dreg:$0x0];
	s2 =	simm.s32 $0x0;
	s30 =	simm.s32 $0x9  }
0x3: {  	s14 =	simm.s32 $0x80;
	s8 =	simm.s32 $0x500;
	s31 =	simm.s32 $0x100  }
0x4: {  	s16 =	simm.s32 $0x8500;
	s13 =	simm.s32 $0x1;
	s29 =	simm.s32 $0x180  }
0x5: {  	s15 =	simm.s32 $0xC500;
	s11 =	simm.s32 $0x2;
	s9 =	simm.s32 $0x5  }
0x6: {  	s28 =	simm.s32 $0x200;
	s18 =	simm.s32 $0x3;
	s10 =	simm.s32 $0x6  }
0x7: {  	s17 =	simm.s32 $0x4;
	s0 =	sand.u32 $0x1, s0;
	s1 =	sshll.u32 s1, $0x1  }
0x8: {  	p0 =	por $0x0, $0x0;
	s19 =	simm.s32 $0x480;
	s1 =	sor.u32 s0, s1  }
0x9: {  	[smem:$0x7FF] =	sst s2;
	s0 =	ssub.s32 $0x2, s0;
	s4 =	smul.u32 $0xA0, s1  }
0xa: {  	s6 =	sadd.s32 $0x3E2C00, s3;
	s5 =	smul.u32 $0x5000, s1;
	s25 =	sshrl.u32 s0, $0x1  }
0xb: {  	_ =	strace $0x80000047;
	s1 =	smul.u32 $0x28000, s1;
	s0 =	ssub.s32 s0, s25  }
0xc: {  	s25 =	simm.s32 $0x300;
	s4 =	sadd.s32 s4, s3;
	s20 =	sadd.s32 s6, s5  }
0xd: {  	s1 =	sshrl.u32 s1, $0x3;
	s3 =	sadd.s32 $0x1800, s3;
	s0 =	smax.u32 s0, $0x1  }
0xe: {  	s4 =	sadd.s32 $0x3E1800, s4;
	s21 =	sadd.s32 $0x800, s20;
	s1 =	sadd.s32 s6, s1  }
0xf: {  	s6 =	simm.s32 $0x4500;
	p1 =	sne.s32 s0, $0x1;
	[dreg:$0x2] =	wrdreg s4  }
0x10: {  	[dreg:$0x3] =	wrdreg s21;
	s22 =	sadd.s32 $0x1000, s1;
	s23 =	sadd.s32 $0x1800, s1  }
0x11: {  	s24 =	sadd.s32 $0x2000, s1;
	s26 =	sadd.s32 $0x2800, s1;
	s12 =	sadd.s32 $0x3000, s1  }
.Ltmp0:
0x12: {  	s7 =	sadd.s32 $0x3800, s1;
	[dreg:$0x4] =	wrdreg s22;
	(pc) =	sbr.rel @!p1 .LBB2_3-.Ltmp0, $4  }
0x13: {  	s5 =	sadd.s32 $0x4000, s1;
	s4 =	sadd.s32 $0x4800, s1;
	[dreg:$0x5] =	wrdreg s23  }
0x14: {  	s1 =	sadd.s32 $0xFFFFFFFF, s0;
	s21 =	simm.s32 $0x400;
	[dreg:$0x6] =	wrdreg s24  }
0x15: {  	[dreg:$0x7] =	wrdreg s26;
	s26 =	simm.s32 $0x280;
	s24 =	simm.s32 $0x7  }
0x16: {  	s22 =	simm.s32 $0x8;
	s23 =	simm.s32 $0x380;
	s0 =	rddreg [dreg:$0x2]  }
0x17: {  	[tilespmem:s2], [sflag:$0x9] =	stream.linear.gather [hbm4b:s0+s2], $0x500, $0x38;
	[tilespmem:$0x10500] =	vst v63  }
0x18: {  	_ =	swait.ge [sflag:s30], $0x500  }
0x19: {  	[sflag:s30] =	ssyncset.done $0x0  }
0x1a: {  	[sflag:s30] =	ssyncadd.s32 $0xFFFFFB00  }
0x1b: {  	[tilespmem:s8], [sflag:$0x1] =	stream.indirect.gather [hbm4b:s3+s14], $0x80, s2, s14, $0xb8;
	[tilespmem:$0x10500] =	vst v63  }
0x1c: {  	_ = 	snop  }
0x1d: {  	[tilespmem:s6], [sflag:$0x2] =	stream.indirect.gather [hbm4b:s3+s14], $0x80, s14, s14, $0xb8;
	[tilespmem:$0x10500] =	vst v63  }
0x1e: {  	_ = 	snop  }
0x1f: {  	[tilespmem:s16], [sflag:$0x3] =	stream.indirect.gather [hbm4b:s3+s14], $0x80, s31, s14, $0xb8;
	[tilespmem:$0x10500] =	vst v63  }
0x20: {  	_ =	swait.ge [sflag:s13], $0x4000  }
0x21: {  	[sflag:s13] =	ssyncset.done $0x0  }
0x22: {  	[sflag:s13] =	ssyncadd.s32 $0xFFFFC000  }
0x23: {  	[hbm4b:s20+s2] =	stream.linear.scatter [tilespmem:s8], [sflag:$0x5], $0x4000, $0x38;
	[tilespmem:$0x10500] =	vst v63  }
0x24: {  	_ = 	snop  }
0x25: {  	[tilespmem:s15], [sflag:$0x4] =	stream.indirect.gather [hbm4b:s3+s14], $0x80, s29, s14, $0xb8;
	[tilespmem:$0x10500] =	vst v63  }
0x26: {  	_ =	swait.ge [sflag:s11], $0x4000  }
0x27: {  	[sflag:s11] =	ssyncset.done $0x0  }
0x28: {  	s0 =	rddreg [dreg:$0x3];
	[sflag:s11] =	ssyncadd.s32 $0xFFFFC000  }
0x29: {  	[hbm4b:s0+s2] =	stream.linear.scatter [tilespmem:s6], [sflag:$0x6], $0x4000, $0x38;
	[tilespmem:$0x10500] =	vst v63  }
0x2a: {  	_ =	swait.ge [sflag:s9], $0x4000  }
0x2b: {  	[sflag:s9] =	ssyncset.done $0x0  }
0x2c: {  	[sflag:s9] =	ssyncadd.s32 $0xFFFFC000  }
0x2d: {  	[tilespmem:s8], [sflag:$0x1] =	stream.indirect.gather [hbm4b:s3+s14], $0x80, s28, s14, $0xb8;
	[tilespmem:$0x10500] =	vst v63  }
0x2e: {  	_ =	swait.ge [sflag:s18], $0x4000  }
0x2f: {  	[sflag:s18] =	ssyncset.done $0x0  }
0x30: {  	s0 =	rddreg [dreg:$0x4];
	[sflag:s18] =	ssyncadd.s32 $0xFFFFC000  }
0x31: {  	[hbm4b:s0+s2] =	stream.linear.scatter [tilespmem:s16], [sflag:$0x7], $0x4000, $0x38;
	[tilespmem:$0x10500] =	vst v63  }
0x32: {  	_ =	swait.ge [sflag:s10], $0x4000  }
0x33: {  	[sflag:s10] =	ssyncset.done $0x0  }
0x34: {  	[sflag:s10] =	ssyncadd.s32 $0xFFFFC000  }
0x35: {  	[tilespmem:s6], [sflag:$0x2] =	stream.indirect.gather [hbm4b:s3+s14], $0x80, s26, s14, $0xb8;
	[tilespmem:$0x10500] =	vst v63  }
0x36: {  	_ =	swait.ge [sflag:s17], $0x4000  }
0x37: {  	[sflag:s17] =	ssyncset.done $0x0  }
0x38: {  	s0 =	rddreg [dreg:$0x5];
	[sflag:s17] =	ssyncadd.s32 $0xFFFFC000  }
0x39: {  	[hbm4b:s0+s2] =	stream.linear.scatter [tilespmem:s15], [sflag:$0x8], $0x4000, $0x38;
	[tilespmem:$0x10500] =	vst v63  }
0x3a: {  	_ =	swait.ge [sflag:s24], $0x4000  }
0x3b: {  	[sflag:s24] =	ssyncset.done $0x0  }
0x3c: {  	[sflag:s24] =	ssyncadd.s32 $0xFFFFC000  }
0x3d: {  	[tilespmem:s16], [sflag:$0x3] =	stream.indirect.gather [hbm4b:s3+s14], $0x80, s25, s14, $0xb8;
	[tilespmem:$0x10500] =	vst v63  }
0x3e: {  	_ =	swait.ge [sflag:s13], $0x4000  }
0x3f: {  	[sflag:s13] =	ssyncset.done $0x0  }
0x40: {  	s0 =	rddreg [dreg:$0x6];
	[sflag:s13] =	ssyncadd.s32 $0xFFFFC000  }
0x41: {  	[hbm4b:s0+s2] =	stream.linear.scatter [tilespmem:s8], [sflag:$0x5], $0x4000, $0x38;
	[tilespmem:$0x10500] =	vst v63  }
0x42: {  	_ =	swait.ge [sflag:s22], $0x4000  }
0x43: {  	[sflag:s22] =	ssyncset.done $0x0  }
0x44: {  	[sflag:s22] =	ssyncadd.s32 $0xFFFFC000  }
0x45: {  	[tilespmem:s15], [sflag:$0x4] =	stream.indirect.gather [hbm4b:s3+s14], $0x80, s23, s14, $0xb8;
	[tilespmem:$0x10500] =	vst v63  }
0x46: {  	_ =	swait.ge [sflag:s11], $0x4000  }
0x47: {  	[sflag:s11] =	ssyncset.done $0x0  }
0x48: {  	s0 =	rddreg [dreg:$0x7];
	[sflag:s11] =	ssyncadd.s32 $0xFFFFC000  }
0x49: {  	[hbm4b:s0+s2] =	stream.linear.scatter [tilespmem:s6], [sflag:$0x6], $0x4000, $0x38;
	[tilespmem:$0x10500] =	vst v63  }
0x4a: {  	_ =	swait.ge [sflag:s9], $0x4000  }
0x4b: {  	[sflag:s9] =	ssyncset.done $0x0  }
0x4c: {  	[sflag:s9] =	ssyncadd.s32 $0xFFFFC000  }
0x4d: {  	[tilespmem:s8], [sflag:$0x1] =	stream.indirect.gather [hbm4b:s3+s14], $0x80, s21, s14, $0xb8;
	[tilespmem:$0x10500] =	vst v63  }
0x4e: {  	_ =	swait.ge [sflag:s18], $0x4000  }
0x4f: {  	[sflag:s18] =	ssyncset.done $0x0  }
0x50: {  	[sflag:s18] =	ssyncadd.s32 $0xFFFFC000  }
0x51: {  	[hbm4b:s12+s2] =	stream.linear.scatter [tilespmem:s16], [sflag:$0x7], $0x4000, $0x38;
	[tilespmem:$0x10500] =	vst v63  }
0x52: {  	_ =	swait.ge [sflag:s10], $0x4000  }
0x53: {  	[sflag:s10] =	ssyncset.done $0x0  }
0x54: {  	[sflag:s10] =	ssyncadd.s32 $0xFFFFC000  }
0x55: {  	[tilespmem:s6], [sflag:$0x2] =	stream.indirect.gather [hbm4b:s3+s14], $0x80, s19, s14, $0xb8;
	[tilespmem:$0x10500] =	vst v63  }
0x56: {  	_ =	swait.ge [sflag:s17], $0x4000  }
0x57: {  	[sflag:s17] =	ssyncset.done $0x0  }
0x58: {  	[sflag:s17] =	ssyncadd.s32 $0xFFFFC000  }
0x59: {  	[hbm4b:s7+s2] =	stream.linear.scatter [tilespmem:s15], [sflag:$0x8], $0x4000, $0x38;
	[tilespmem:$0x10500] =	vst v63  }
0x5a: {  	_ =	swait.ge [sflag:s13], $0x4000  }
0x5b: {  	[sflag:s13] =	ssyncset.done $0x0  }
0x5c: {  	[sflag:s13] =	ssyncadd.s32 $0xFFFFC000  }
0x5d: {  	[hbm4b:s5+s2] =	stream.linear.scatter [tilespmem:s8], [sflag:$0x5], $0x4000, $0x38;
	[tilespmem:$0x10500] =	vst v63  }
0x5e: {  	_ =	swait.ge [sflag:s11], $0x4000  }
0x5f: {  	[sflag:s11] =	ssyncset.done $0x0  }
0x60: {  	p1 =	sne.s32 s1, $0x1;
	[sflag:s11] =	ssyncadd.s32 $0xFFFFC000  }
0x61: {  	[hbm4b:s4+s2] =	stream.linear.scatter [tilespmem:s6], [sflag:$0x6], $0x4000, $0x38;
	[tilespmem:$0x10500] =	vst v63  }
.Ltmp1:
0x62: {  	_ =	swait.ge [sflag:s9], $0x4000;
	(pc) =	sbr.rel @!p1 .LBB2_3-.Ltmp1, $4  }
0x63: {  	[sflag:s9] =	ssyncset.done $0x0  }
0x64: {  	[sflag:s9] =	ssyncadd.s32 $0xFFFFC000  }
0x65: {  	s1 =	sadd.s32 $0xFFFFFFFF, s1;
	_ =	swait.ge [sflag:s10], $0x4000  }
0x66: {  	p0 =	por $0x1, $0x1;
	s0 =	rddreg [dreg:$0x2];
	[sflag:s10] =	ssyncset.done $0x0  }
.LBB2_2:
0x67: {  	[sflag:s10] =	ssyncadd.s32 $0xFFFFC000  }
0x68: {  	[tilespmem:s2], [sflag:$0x9] =	stream.linear.gather [hbm4b:s0+s2], $0x500, $0x38;
	[tilespmem:$0x10500] =	vst v63  }
0x69: {  	_ =	swait.ge [sflag:s30], $0x500  }
0x6a: {  	[sflag:s30] =	ssyncset.done $0x0  }
0x6b: {  	[sflag:s30] =	ssyncadd.s32 $0xFFFFFB00  }
0x6c: {  	[tilespmem:s8], [sflag:$0x1] =	stream.indirect.gather [hbm4b:s3+s14], $0x80, s2, s14, $0xb8;
	[tilespmem:$0x10500] =	vst v63  }
0x6d: {  	_ = 	snop  }
0x6e: {  	[tilespmem:s6], [sflag:$0x2] =	stream.indirect.gather [hbm4b:s3+s14], $0x80, s14, s14, $0xb8;
	[tilespmem:$0x10500] =	vst v63  }
0x6f: {  	_ = 	snop  }
0x70: {  	[tilespmem:s16], [sflag:$0x3] =	stream.indirect.gather [hbm4b:s3+s14], $0x80, s31, s14, $0xb8;
	[tilespmem:$0x10500] =	vst v63  }
0x71: {  	_ =	swait.ge [sflag:s13], $0x4000  }
0x72: {  	[sflag:s13] =	ssyncset.done $0x0  }
0x73: {  	[sflag:s13] =	ssyncadd.s32 $0xFFFFC000  }
0x74: {  	[hbm4b:s20+s2] =	stream.linear.scatter [tilespmem:s8], [sflag:$0x5], $0x4000, $0x38;
	[tilespmem:$0x10500] =	vst v63  }
0x75: {  	_ = 	snop  }
0x76: {  	[tilespmem:s15], [sflag:$0x4] =	stream.indirect.gather [hbm4b:s3+s14], $0x80, s29, s14, $0xb8;
	[tilespmem:$0x10500] =	vst v63  }
0x77: {  	_ =	swait.ge [sflag:s11], $0x4000  }
0x78: {  	[sflag:s11] =	ssyncset.done $0x0  }
0x79: {  	s0 =	rddreg [dreg:$0x3];
	[sflag:s11] =	ssyncadd.s32 $0xFFFFC000  }
0x7a: {  	[hbm4b:s0+s2] =	stream.linear.scatter [tilespmem:s6], [sflag:$0x6], $0x4000, $0x38;
	[tilespmem:$0x10500] =	vst v63  }
0x7b: {  	_ =	swait.ge [sflag:s9], $0x4000  }
0x7c: {  	[sflag:s9] =	ssyncset.done $0x0  }
0x7d: {  	[sflag:s9] =	ssyncadd.s32 $0xFFFFC000  }
0x7e: {  	[tilespmem:s8], [sflag:$0x1] =	stream.indirect.gather [hbm4b:s3+s14], $0x80, s28, s14, $0xb8;
	[tilespmem:$0x10500] =	vst v63  }
0x7f: {  	_ =	swait.ge [sflag:s18], $0x4000  }
0x80: {  	[sflag:s18] =	ssyncset.done $0x0  }
0x81: {  	s0 =	rddreg [dreg:$0x4];
	[sflag:s18] =	ssyncadd.s32 $0xFFFFC000  }
0x82: {  	[hbm4b:s0+s2] =	stream.linear.scatter [tilespmem:s16], [sflag:$0x7], $0x4000, $0x38;
	[tilespmem:$0x10500] =	vst v63  }
0x83: {  	_ =	swait.ge [sflag:s10], $0x4000  }
0x84: {  	[sflag:s10] =	ssyncset.done $0x0  }
0x85: {  	[sflag:s10] =	ssyncadd.s32 $0xFFFFC000  }
0x86: {  	[tilespmem:s6], [sflag:$0x2] =	stream.indirect.gather [hbm4b:s3+s14], $0x80, s26, s14, $0xb8;
	[tilespmem:$0x10500] =	vst v63  }
0x87: {  	_ =	swait.ge [sflag:s17], $0x4000  }
0x88: {  	[sflag:s17] =	ssyncset.done $0x0  }
0x89: {  	s0 =	rddreg [dreg:$0x5];
	[sflag:s17] =	ssyncadd.s32 $0xFFFFC000  }
0x8a: {  	[hbm4b:s0+s2] =	stream.linear.scatter [tilespmem:s15], [sflag:$0x8], $0x4000, $0x38;
	[tilespmem:$0x10500] =	vst v63  }
0x8b: {  	_ =	swait.ge [sflag:s24], $0x4000  }
0x8c: {  	[sflag:s24] =	ssyncset.done $0x0  }
0x8d: {  	[sflag:s24] =	ssyncadd.s32 $0xFFFFC000  }
0x8e: {  	[tilespmem:s16], [sflag:$0x3] =	stream.indirect.gather [hbm4b:s3+s14], $0x80, s25, s14, $0xb8;
	[tilespmem:$0x10500] =	vst v63  }
0x8f: {  	_ =	swait.ge [sflag:s13], $0x4000  }
0x90: {  	[sflag:s13] =	ssyncset.done $0x0  }
0x91: {  	s0 =	rddreg [dreg:$0x6];
	[sflag:s13] =	ssyncadd.s32 $0xFFFFC000  }
0x92: {  	[hbm4b:s0+s2] =	stream.linear.scatter [tilespmem:s8], [sflag:$0x5], $0x4000, $0x38;
	[tilespmem:$0x10500] =	vst v63  }
0x93: {  	_ =	swait.ge [sflag:s22], $0x4000  }
0x94: {  	[sflag:s22] =	ssyncset.done $0x0  }
0x95: {  	[sflag:s22] =	ssyncadd.s32 $0xFFFFC000  }
0x96: {  	[tilespmem:s15], [sflag:$0x4] =	stream.indirect.gather [hbm4b:s3+s14], $0x80, s23, s14, $0xb8;
	[tilespmem:$0x10500] =	vst v63  }
0x97: {  	_ =	swait.ge [sflag:s11], $0x4000  }
0x98: {  	[sflag:s11] =	ssyncset.done $0x0  }
0x99: {  	s0 =	rddreg [dreg:$0x7];
	[sflag:s11] =	ssyncadd.s32 $0xFFFFC000  }
0x9a: {  	[hbm4b:s0+s2] =	stream.linear.scatter [tilespmem:s6], [sflag:$0x6], $0x4000, $0x38;
	[tilespmem:$0x10500] =	vst v63  }
0x9b: {  	_ =	swait.ge [sflag:s9], $0x4000  }
0x9c: {  	[sflag:s9] =	ssyncset.done $0x0  }
0x9d: {  	[sflag:s9] =	ssyncadd.s32 $0xFFFFC000  }
0x9e: {  	[tilespmem:s8], [sflag:$0x1] =	stream.indirect.gather [hbm4b:s3+s14], $0x80, s21, s14, $0xb8;
	[tilespmem:$0x10500] =	vst v63  }
0x9f: {  	_ =	swait.ge [sflag:s18], $0x4000  }
0xa0: {  	[sflag:s18] =	ssyncset.done $0x0  }
0xa1: {  	[sflag:s18] =	ssyncadd.s32 $0xFFFFC000  }
0xa2: {  	[hbm4b:s12+s2] =	stream.linear.scatter [tilespmem:s16], [sflag:$0x7], $0x4000, $0x38;
	[tilespmem:$0x10500] =	vst v63  }
0xa3: {  	_ =	swait.ge [sflag:s10], $0x4000  }
0xa4: {  	[sflag:s10] =	ssyncset.done $0x0  }
0xa5: {  	[sflag:s10] =	ssyncadd.s32 $0xFFFFC000  }
0xa6: {  	[tilespmem:s6], [sflag:$0x2] =	stream.indirect.gather [hbm4b:s3+s14], $0x80, s19, s14, $0xb8;
	[tilespmem:$0x10500] =	vst v63  }
0xa7: {  	_ =	swait.ge [sflag:s17], $0x4000  }
0xa8: {  	[sflag:s17] =	ssyncset.done $0x0  }
0xa9: {  	[sflag:s17] =	ssyncadd.s32 $0xFFFFC000  }
0xaa: {  	[hbm4b:s7+s2] =	stream.linear.scatter [tilespmem:s15], [sflag:$0x8], $0x4000, $0x38;
	[tilespmem:$0x10500] =	vst v63  }
0xab: {  	_ =	swait.ge [sflag:s13], $0x4000  }
0xac: {  	[sflag:s13] =	ssyncset.done $0x0  }
0xad: {  	[sflag:s13] =	ssyncadd.s32 $0xFFFFC000  }
0xae: {  	[hbm4b:s5+s2] =	stream.linear.scatter [tilespmem:s8], [sflag:$0x5], $0x4000, $0x38;
	[tilespmem:$0x10500] =	vst v63  }
0xaf: {  	_ =	swait.ge [sflag:s11], $0x4000  }
0xb0: {  	[sflag:s11] =	ssyncset.done $0x0  }
0xb1: {  	p1 =	sne.s32 s1, $0x1;
	[sflag:s11] =	ssyncadd.s32 $0xFFFFC000  }
0xb2: {  	[hbm4b:s4+s2] =	stream.linear.scatter [tilespmem:s6], [sflag:$0x6], $0x4000, $0x38;
	[tilespmem:$0x10500] =	vst v63  }
.Ltmp2:
0xb3: {  	_ =	swait.ge [sflag:s9], $0x4000;
	(pc) =	sbr.rel @p1 .LBB2_2-.Ltmp2, $4  }
0xb4: {  	[sflag:s9] =	ssyncset.done $0x0  }
0xb5: {  	[sflag:s9] =	ssyncadd.s32 $0xFFFFC000  }
0xb6: {  	_ =	swait.ge [sflag:s10], $0x4000  }
0xb7: {  	s1 =	sadd.s32 $0xFFFFFFFF, s1;
	s0 =	rddreg [dreg:$0x2];
	[sflag:s10] =	ssyncset.done $0x0  }
.LBB2_3:
0xb8: {  	[sflag:s10] =	ssyncadd.s32 @p0 $0xFFFFC000  }
0xb9: {  	[tilespmem:s2], [sflag:$0x9] =	stream.linear.gather [hbm4b:s0+s2], $0x500, $0x38;
	[tilespmem:$0x10500] =	vst v63  }
0xba: {  	_ =	swait.ge [sflag:s30], $0x500  }
0xbb: {  	[sflag:s30] =	ssyncset.done $0x0  }
0xbc: {  	[sflag:s30] =	ssyncadd.s32 $0xFFFFFB00  }
0xbd: {  	[tilespmem:s8], [sflag:$0x1] =	stream.indirect.gather [hbm4b:s3+s14], $0x80, s2, s14, $0xb8;
	[tilespmem:$0x10500] =	vst v63  }
0xbe: {  	_ = 	snop  }
0xbf: {  	[tilespmem:s6], [sflag:$0x2] =	stream.indirect.gather [hbm4b:s3+s14], $0x80, s14, s14, $0xb8;
	[tilespmem:$0x10500] =	vst v63  }
0xc0: {  	_ = 	snop  }
0xc1: {  	[tilespmem:s16], [sflag:$0x3] =	stream.indirect.gather [hbm4b:s3+s14], $0x80, s31, s14, $0xb8;
	[tilespmem:$0x10500] =	vst v63  }
0xc2: {  	_ =	swait.ge [sflag:s13], $0x4000  }
0xc3: {  	[sflag:s13] =	ssyncset.done $0x0  }
0xc4: {  	[sflag:s13] =	ssyncadd.s32 $0xFFFFC000  }
0xc5: {  	[hbm4b:s20+s2] =	stream.linear.scatter [tilespmem:s8], [sflag:$0x5], $0x4000, $0x38;
	[tilespmem:$0x10500] =	vst v63  }
0xc6: {  	_ = 	snop  }
0xc7: {  	[tilespmem:s15], [sflag:$0x4] =	stream.indirect.gather [hbm4b:s3+s14], $0x80, s29, s14, $0xb8;
	[tilespmem:$0x10500] =	vst v63  }
0xc8: {  	_ =	swait.ge [sflag:s11], $0x4000  }
0xc9: {  	[sflag:s11] =	ssyncset.done $0x0  }
0xca: {  	s1 =	rddreg [dreg:$0x3];
	[sflag:s11] =	ssyncadd.s32 $0xFFFFC000  }
0xcb: {  	[hbm4b:s1+s2] =	stream.linear.scatter [tilespmem:s6], [sflag:$0x6], $0x4000, $0x38;
	[tilespmem:$0x10500] =	vst v63  }
0xcc: {  	_ =	swait.ge [sflag:s9], $0x4000  }
0xcd: {  	[sflag:s9] =	ssyncset.done $0x0  }
0xce: {  	[sflag:s9] =	ssyncadd.s32 $0xFFFFC000  }
0xcf: {  	[tilespmem:s8], [sflag:$0x1] =	stream.indirect.gather [hbm4b:s3+s14], $0x80, s28, s14, $0xb8;
	[tilespmem:$0x10500] =	vst v63  }
0xd0: {  	_ =	swait.ge [sflag:s18], $0x4000  }
0xd1: {  	[sflag:s18] =	ssyncset.done $0x0  }
0xd2: {  	s20 =	rddreg [dreg:$0x4];
	[sflag:s18] =	ssyncadd.s32 $0xFFFFC000  }
0xd3: {  	[hbm4b:s20+s2] =	stream.linear.scatter [tilespmem:s16], [sflag:$0x7], $0x4000, $0x38;
	[tilespmem:$0x10500] =	vst v63  }
0xd4: {  	_ =	swait.ge [sflag:s10], $0x4000  }
0xd5: {  	[sflag:s10] =	ssyncset.done $0x0  }
0xd6: {  	[sflag:s10] =	ssyncadd.s32 $0xFFFFC000  }
0xd7: {  	[tilespmem:s6], [sflag:$0x2] =	stream.indirect.gather [hbm4b:s3+s14], $0x80, s26, s14, $0xb8;
	[tilespmem:$0x10500] =	vst v63  }
0xd8: {  	_ =	swait.ge [sflag:s17], $0x4000  }
0xd9: {  	[sflag:s17] =	ssyncset.done $0x0  }
0xda: {  	s28 =	rddreg [dreg:$0x5];
	[sflag:s17] =	ssyncadd.s32 $0xFFFFC000  }
0xdb: {  	[hbm4b:s28+s2] =	stream.linear.scatter [tilespmem:s15], [sflag:$0x8], $0x4000, $0x38;
	[tilespmem:$0x10500] =	vst v63  }
0xdc: {  	_ =	swait.ge [sflag:s24], $0x4000  }
0xdd: {  	[sflag:s24] =	ssyncset.done $0x0  }
0xde: {  	[sflag:s24] =	ssyncadd.s32 $0xFFFFC000  }
0xdf: {  	[tilespmem:s16], [sflag:$0x3] =	stream.indirect.gather [hbm4b:s3+s14], $0x80, s25, s14, $0xb8;
	[tilespmem:$0x10500] =	vst v63  }
0xe0: {  	_ =	swait.ge [sflag:s13], $0x4000  }
0xe1: {  	[sflag:s13] =	ssyncset.done $0x0  }
0xe2: {  	s29 =	rddreg [dreg:$0x6];
	[sflag:s13] =	ssyncadd.s32 $0xFFFFC000  }
0xe3: {  	[hbm4b:s29+s2] =	stream.linear.scatter [tilespmem:s8], [sflag:$0x5], $0x4000, $0x38;
	[tilespmem:$0x10500] =	vst v63  }
0xe4: {  	_ =	swait.ge [sflag:s22], $0x4000  }
0xe5: {  	[sflag:s22] =	ssyncset.done $0x0  }
0xe6: {  	[sflag:s22] =	ssyncadd.s32 $0xFFFFC000  }
0xe7: {  	[tilespmem:s15], [sflag:$0x4] =	stream.indirect.gather [hbm4b:s3+s14], $0x80, s23, s14, $0xb8;
	[tilespmem:$0x10500] =	vst v63  }
0xe8: {  	_ =	swait.ge [sflag:s11], $0x4000  }
0xe9: {  	[sflag:s11] =	ssyncset.done $0x0  }
0xea: {  	s30 =	rddreg [dreg:$0x7];
	[sflag:s11] =	ssyncadd.s32 $0xFFFFC000  }
0xeb: {  	[hbm4b:s30+s2] =	stream.linear.scatter [tilespmem:s6], [sflag:$0x6], $0x4000, $0x38;
	[tilespmem:$0x10500] =	vst v63  }
0xec: {  	_ =	swait.ge [sflag:s9], $0x4000  }
0xed: {  	[sflag:s9] =	ssyncset.done $0x0  }
0xee: {  	[sflag:s9] =	ssyncadd.s32 $0xFFFFC000  }
0xef: {  	[tilespmem:s8], [sflag:$0x1] =	stream.indirect.gather [hbm4b:s3+s14], $0x80, s21, s14, $0xb8;
	[tilespmem:$0x10500] =	vst v63  }
0xf0: {  	_ =	swait.ge [sflag:s18], $0x4000  }
0xf1: {  	[sflag:s18] =	ssyncset.done $0x0  }
0xf2: {  	[sflag:s18] =	ssyncadd.s32 $0xFFFFC000  }
0xf3: {  	[hbm4b:s12+s2] =	stream.linear.scatter [tilespmem:s16], [sflag:$0x7], $0x4000, $0x38;
	[tilespmem:$0x10500] =	vst v63  }
0xf4: {  	_ =	swait.ge [sflag:s10], $0x4000  }
0xf5: {  	[sflag:s10] =	ssyncset.done $0x0  }
0xf6: {  	[sflag:s10] =	ssyncadd.s32 $0xFFFFC000  }
0xf7: {  	[tilespmem:s6], [sflag:$0x2] =	stream.indirect.gather [hbm4b:s3+s14], $0x80, s19, s14, $0xb8;
	[tilespmem:$0x10500] =	vst v63  }
0xf8: {  	_ =	swait.ge [sflag:s17], $0x4000  }
0xf9: {  	[sflag:s17] =	ssyncset.done $0x0  }
0xfa: {  	[sflag:s17] =	ssyncadd.s32 $0xFFFFC000  }
0xfb: {  	[hbm4b:s7+s2] =	stream.linear.scatter [tilespmem:s15], [sflag:$0x8], $0x4000, $0x38;
	[tilespmem:$0x10500] =	vst v63  }
0xfc: {  	_ =	swait.ge [sflag:s13], $0x4000  }
0xfd: {  	[sflag:s13] =	ssyncset.done $0x0  }
0xfe: {  	[sflag:s13] =	ssyncadd.s32 $0xFFFFC000  }
0xff: {  	[hbm4b:s5+s2] =	stream.linear.scatter [tilespmem:s8], [sflag:$0x5], $0x4000, $0x38;
	[tilespmem:$0x10500] =	vst v63  }
0x100: {  	_ =	swait.ge [sflag:s11], $0x4000  }
0x101: {  	[sflag:s11] =	ssyncset.done $0x0  }
0x102: {  	[sflag:s11] =	ssyncadd.s32 $0xFFFFC000  }
0x103: {  	[hbm4b:s4+s2] =	stream.linear.scatter [tilespmem:s6], [sflag:$0x6], $0x4000, $0x38;
	[tilespmem:$0x10500] =	vst v63  }
0x104: {  	_ =	swait.ge [sflag:s9], $0x4000  }
0x105: {  	[sflag:s9] =	ssyncset.done $0x0  }
0x106: {  	[sflag:s9] =	ssyncadd.s32 $0xFFFFC000  }
0x107: {  	_ =	swait.ge [sflag:s10], $0x4000  }
0x108: {  	[sflag:s10] =	ssyncset.done $0x0  }
0x109: {  	[sflag:s10] =	ssyncadd.s32 $0xFFFFC000  }
0x10a: {  	_ =	sfence.sel $0x180000  }
0x10b: {  	[bflag:$0x0] =	sbarrier.arrive $0xFFFF  }
0x10c: {  	_ =	strace $0x90000047  }
0x10d: {  	s31 =	stileid.u32;
	[bflag:$0x2] =	sbarrier.arrive $0xFFFF  }
0x10e: {  	p0 =	sne.s32 s31, $0x0;
	s0 =	rddreg [dreg:$0x1]  }
0x10f: {  	s0 =	sadd.s32 @!p0 $0x100000, s0  }
0x110: {  	[sflag:s0] =	ssyncadd.tile.s32 @!p0 $0x1;
	_ =	shalt  }
.Lfunc_end2:
_tile_overlayer_lowered:
.L_overlay_start_2:
0x111: {  	(tag) =	ssettag $0x2  }
0x112: {  	s0 =	rddreg [dreg:$0x0];
	s2 =	stileid.u32  }
0x113: {  	s1 =	rddreg [dreg:$0x1];
	p0 =	sne.s32 s2, $0x0  }
0x114: {  	s3 =	rddreg [dreg:$0x2];
	[bflag:$0x3] =	sbarrier.arrive $0xFFFF;
	s2 =	simm.s32 @!p0 $0x1C09  }
0x115: {  	[timem:s3], [sflag:s2] =	dma.local @!p0 [hbm:s0], s1  }
0x116: {  	s0 =	simm.s32 @!p0 $0x9  }
0x117: {  	_ =	swait.ge @!p0 [sflag:s0], s1  }
0x118: {  	s1 =	ssub.s32 @!p0 $0x0, s1;
	[sflag:s0] =	ssyncset.done @!p0 $0x0  }
0x119: {  	[sflag:s0] =	ssyncadd.s32 @!p0 s1  }
0x11a: {  	[bflag:$0x3] =	sbarrier.arrive $0xFFFF  }
0x11b: {  	_ =	shalt  }

</sc_bundles>
